<compile_context>
chip_gen: v7x
topology: tpu7x:2x2x1
jax: 0.10.2.dev20260603
libtpu: 0.0.44.dev20260713+nightly
codegen_flags: <defaults>
</compile_context>

<pallas_src>
import functools

import jax
import jax.numpy as jnp
from jax import lax
from jax.experimental import pallas as pl
from jax.experimental.pallas import tpu as pltpu
from jax.experimental.pallas import tpu_sc as plsc

NC = 2
NS = 16
NW = NC * NS
LANES = 16
ACC_W = 6
NP = 10112
PART = ACC_W * NP
PSTRIDE = 61440


def _proj_body(x_ref, w1_ref, w2_ref, b_ref, o1_ref, o2_ref):
    xb = x_ref[...]
    o1_ref[...] = (
        jnp.dot(xb, w1_ref[...], preferred_element_type=jnp.float32) + b_ref[...]
    )
    o2_ref[...] = jnp.dot(xb, w2_ref[...], preferred_element_type=jnp.float32)


def _sum_body(p_ref, o_ref):
    h = (
        (p_ref[pl.ds(0, PSTRIDE)] + p_ref[pl.ds(PSTRIDE, PSTRIDE)])
        + (p_ref[pl.ds(2 * PSTRIDE, PSTRIDE)] + p_ref[pl.ds(3 * PSTRIDE, PSTRIDE)])
    )

    @pl.when(pl.program_id(0) == 0)
    def _():
        o_ref[...] = h

    @pl.when(pl.program_id(0) != 0)
    def _():
        o_ref[...] += h


def _final_body(N, x_ref, nb_ref, anc_ref, o_ref):
    nb = nb_ref[...][:, :N]
    deg = nb[5:6, :]
    scale = 1.0 / jnp.maximum(deg, 1.0)
    nbs = nb * scale
    o_ref[...] = x_ref[...] + lax.dot_general(
        nbs, anc_ref[...], (((0,), (0,)), ((), ())),
        preferred_element_type=jnp.float32,
    )


def _sc_edge_body(A, EW, BE, t1_hbm, t2_hbm, ei_hbm, z_hbm, out_hbm,
                  src_v, dst0, dst1, gs0, gs1, gd0, gd1, acc_v,
                  sem_s0, sem_s1, sem_d0, sem_d1):
    c = lax.axis_index("c")
    s = lax.axis_index("s")
    wid = s * NC + c
    base = wid * EW
    nbatch = EW // BE
    nchunk = BE // LANES

    cols = [jnp.full((LANES,), a, jnp.int32) for a in range(A)]
    iota = lax.iota(jnp.int32, LANES)
    ones = jnp.ones((LANES,), jnp.float32)

    dsts = (dst0, dst1)
    gss, gds = (gs0, gs1), (gd0, gd1)
    sem_ss, sem_ds = (sem_s0, sem_s1), (sem_d0, sem_d1)

    def load_batch(j):
        b = j % 2
        pltpu.sync_copy(ei_hbm.at[0, pl.ds(base + j * BE, BE)], src_v)
        pltpu.sync_copy(ei_hbm.at[1, pl.ds(base + j * BE, BE)], dsts[b])
        ds_ = pltpu.async_copy(t1_hbm.at[src_v], gss[b], sem_ss[b])
        dd_ = pltpu.async_copy(t2_hbm.at[dsts[b]], gds[b], sem_ds[b])
        return ds_, dd_

    pending = load_batch(0)
    pltpu.sync_copy(z_hbm, acc_v)

    for j in range(nbatch):
        b = j % 2
        pending[0].wait()
        pending[1].wait()
        if j + 1 < nbatch:
            nxt = load_batch(j + 1)
        dst_v, gsrc_v, gdst_v = dsts[b], gss[b], gds[b]

        def chunk(k, carry):
            eoff = k * LANES + iota
            didx = dst_v[pl.ds(k * LANES, LANES)]
            logit = [
                plsc.load_gather(gsrc_v, [eoff, cols[a]])
                + plsc.load_gather(gdst_v, [eoff, cols[a]])
                for a in range(A)
            ]
            logit = [jnp.where(v >= 0.0, v, v * 0.01) for v in logit]
            ex = [jnp.exp(v) for v in logit]
            tot = ex[0]
            for v in ex[1:]:
                tot = tot + v
            inv = 1.0 / tot
            for a in range(A):
                plsc.addupdate_scatter(acc_v, [didx + a * NP], ex[a] * inv)
            plsc.addupdate_scatter(acc_v, [didx + A * NP], ones)
            return carry

        lax.fori_loop(0, nchunk, chunk, 0)
        if j + 1 < nbatch:
            pending = nxt

    pltpu.sync_copy(acc_v, out_hbm.at[pl.ds(wid * PSTRIDE, PART)])


def kernel(x, edge_index, anchor_prompt, W, b_w):
    N, D = x.shape
    E = edge_index.shape[1]
    A = anchor_prompt.shape[0]
    assert E % NW == 0 and N <= NP
    EW = E // NW
    BE = 2000
    assert EW % BE == 0 and BE % LANES == 0

    W1t = W[:, :D].T
    W2t = W[:, D:].T
    bvec = b_w.reshape(1, A)
    anc_pad = jnp.zeros((ACC_W, D), jnp.float32).at[:A].set(anchor_prompt)
    zbuf = jnp.zeros((PART,), jnp.float32)

    T1, T2 = pl.pallas_call(
        _proj_body,
        out_shape=[
            jax.ShapeDtypeStruct((N, A), jnp.float32),
            jax.ShapeDtypeStruct((N, A), jnp.float32),
        ],
    )(x, W1t, W2t, bvec)

    mesh = plsc.VectorSubcoreMesh(
        core_axis_name="c", subcore_axis_name="s",
        num_cores=NC, num_subcores=NS,
    )
    sc_fn = pl.kernel(
        functools.partial(_sc_edge_body, A, EW, BE),
        out_type=jax.ShapeDtypeStruct((NW * PSTRIDE,), jnp.float32),
        mesh=mesh,
        compiler_params=pltpu.CompilerParams(
            use_tc_tiling_on_sc=False, needs_layout_passes=False
        ),
        scratch_types=[
            pltpu.VMEM((BE,), jnp.int32),
            pltpu.VMEM((BE,), jnp.int32),
            pltpu.VMEM((BE,), jnp.int32),
            pltpu.VMEM((BE, A), jnp.float32),
            pltpu.VMEM((BE, A), jnp.float32),
            pltpu.VMEM((BE, A), jnp.float32),
            pltpu.VMEM((BE, A), jnp.float32),
            pltpu.VMEM((PART,), jnp.float32),
            pltpu.SemaphoreType.DMA,
            pltpu.SemaphoreType.DMA,
            pltpu.SemaphoreType.DMA,
            pltpu.SemaphoreType.DMA,
        ],
    )
    parts = sc_fn(T1, T2, edge_index, zbuf)

    nb_flat = pl.pallas_call(
        _sum_body,
        grid=(NW // 4,),
        in_specs=[pl.BlockSpec((4 * PSTRIDE,), lambda i: (i,))],
        out_specs=pl.BlockSpec((PSTRIDE,), lambda i: (0,)),
        out_shape=jax.ShapeDtypeStruct((PSTRIDE,), jnp.float32),
    )(parts)
    nb6 = nb_flat[:PART].reshape(ACC_W, NP)

    out = pl.pallas_call(
        functools.partial(_final_body, N),
        out_shape=jax.ShapeDtypeStruct((N, D), jnp.float32),
    )(x, nb6, anc_pad)
    return out

# --- scband reference (transcript-rebuilt; emitter-appended) ---
"""Pipeline reference for scband-edge-prompt-plus-83176336654763 (READ-ONLY COPY).

The authoritative reference and input builder live on the scoring server;
editing this copy changes nothing except your own understanding.
"""

import jax, jax.numpy as jnp
import numpy as np

N = 10000
E = 320000
D = 128
A = 5


def setup_inputs(seed: int = 0) -> dict:
    key = jax.random.key(seed)
    k1, k2, k3, k4, k5 = jax.random.split(key, 5)
    x = jax.random.normal(k1, (N, D), dtype=jnp.float32)
    edge_index = jax.random.randint(k2, (2, E), 0, N)
    # anchor_prompt: xavier_uniform with gain=0.1 on shape (A, D)
    gain = 0.1
    bound_a = gain * np.sqrt(6.0 / (A + D))
    anchor_prompt = jax.random.uniform(k3, (A, D), minval=-bound_a, maxval=bound_a, dtype=jnp.float32)
    # nn.Linear(2*D, A) default init: kaiming-uniform-ish bound 1/sqrt(fan_in)
    fan_in = 2 * D
    bound_w = 1.0 / np.sqrt(fan_in)
    W = jax.random.uniform(k4, (A, 2 * D), minval=-bound_w, maxval=bound_w, dtype=jnp.float32)
    b_w = jax.random.uniform(k5, (A,), minval=-bound_w, maxval=bound_w, dtype=jnp.float32)
    return {"x": x, "edge_index": edge_index, "anchor_prompt": anchor_prompt, "W": W, "b_w": b_w}


def reference(x, edge_index, anchor_prompt, W, b_w):
    src = edge_index[0]
    dst = edge_index[1]
    x_src = jnp.take(x, src, axis=0)
    x_dst = jnp.take(x, dst, axis=0)
    combined_x = jnp.concatenate([x_src, x_dst], axis=-1)
    logits = combined_x @ W.T + b_w
    b = jax.nn.softmax(jax.nn.leaky_relu(logits, negative_slope=0.01), axis=1)
    edge_prompt = b @ anchor_prompt
    node_prompt = jnp.zeros_like(x).at[dst].add(edge_prompt)
    deg = jnp.bincount(dst, length=x.shape[0]).astype(x.dtype)
    deg = jnp.clip(deg, 1.0, None)
    node_prompt = node_prompt / deg[:, None]
    return x + node_prompt

if __name__ == "__main__":
    import jax
    _d = setup_inputs()
    print(jax.jit(kernel)(*tuple(_d.values())))

</pallas_src>

<mosaic_0001>
#map = affine_map<(d0, d1) -> (0, 0)>
#map1 = affine_map<(d0, d1) -> (0)>
module attributes {stable_mosaic.version = 14 : i64} {
  func.func @_sc_edge_body(%arg0: i32, %arg1: i32, %arg2: memref<10000x5xf32, #tpu.memory_space<hbm>>, %arg3: memref<10000x5xf32, #tpu.memory_space<hbm>>, %arg4: memref<2x320000xi32, #tpu.memory_space<hbm>>, %arg5: memref<60672xf32, #tpu.memory_space<hbm>>, %arg6: memref<1966080xf32, #tpu.memory_space<hbm>>, %arg7: memref<2000xi32, #tpu.memory_space<vmem>>, %arg8: memref<2000xi32, #tpu.memory_space<vmem>>, %arg9: memref<2000xi32, #tpu.memory_space<vmem>>, %arg10: memref<2000x5xf32, #tpu.memory_space<vmem>>, %arg11: memref<2000x5xf32, #tpu.memory_space<vmem>>, %arg12: memref<2000x5xf32, #tpu.memory_space<vmem>>, %arg13: memref<2000x5xf32, #tpu.memory_space<vmem>>, %arg14: memref<60672xf32, #tpu.memory_space<vmem>>, %arg15: memref<!tpu.dma_semaphore, #tpu.memory_space<semaphore_mem>>, %arg16: memref<!tpu.dma_semaphore, #tpu.memory_space<semaphore_mem>>, %arg17: memref<!tpu.dma_semaphore, #tpu.memory_space<semaphore_mem>>, %arg18: memref<!tpu.dma_semaphore, #tpu.memory_space<semaphore_mem>>) attributes {dimension_semantics = [#tpu.dimension_semantics<core_parallel>, #tpu.dimension_semantics<subcore_parallel>], iteration_bounds = array<i64: 2, 16>, scalar_prefetch = 0 : i64, scratch_operands = 12 : i64, tpu.core_type = #tpu.core_type<sc_vector_subcore>, window_params = [{transform_indices = #map}, {transform_indices = #map}, {transform_indices = #map}, {transform_indices = #map1}, {transform_indices = #map1}]} {
    %mul3A = arith.constant 2 : i32
    %mul3A_0 = arith.muli %arg1, %mul3A : i32
    %add3A = arith.addi %mul3A_0, %arg0 : i32
    %mul3A_1 = arith.constant 10000 : i32
    %mul3A_2 = arith.muli %add3A, %mul3A_1 : i32
    %broadcast_in_dim3A = arith.constant 0 : i32
    %broadcast_in_dim3A_3 = vector.broadcast %broadcast_in_dim3A : i32 to vector<16xi32>
    %broadcast_in_dim3A_4 = arith.constant 1 : i32
    %broadcast_in_dim3A_5 = vector.broadcast %broadcast_in_dim3A_4 : i32 to vector<16xi32>
    %broadcast_in_dim3A_6 = arith.constant 2 : i32
    %broadcast_in_dim3A_7 = vector.broadcast %broadcast_in_dim3A_6 : i32 to vector<16xi32>
    %broadcast_in_dim3A_8 = arith.constant 3 : i32
    %broadcast_in_dim3A_9 = vector.broadcast %broadcast_in_dim3A_8 : i32 to vector<16xi32>
    %broadcast_in_dim3A_10 = arith.constant 4 : i32
    %broadcast_in_dim3A_11 = vector.broadcast %broadcast_in_dim3A_10 : i32 to vector<16xi32>
    %iota3A = tpu.iota {dimensions = array<i32: 0>} : vector<16xi32>
    %broadcast_in_dim3A_12 = arith.constant 1.000000e+00 : f32
    %broadcast_in_dim3A_13 = vector.broadcast %broadcast_in_dim3A_12 : f32 to vector<16xf32>
    %add3A_14 = arith.constant 0 : i32
    %add3A_15 = arith.addi %mul3A_2, %add3A_14 : i32
    %run_scoped3A = arith.constant 0 : i32
    "tpu.region"() ({
      %run_scoped3A_132 = tpu.sem_alloc : memref<!tpu.dma_semaphore, #tpu.memory_space<semaphore_mem>>
      %dma_start3A_133 = tpu.memref_slice %arg4[%run_scoped3A, %add3A_15] : memref<2x320000xi32, #tpu.memory_space<hbm>> -> memref<1x2000xi32, #tpu.memory_space<hbm>>
      %dma_start3A_134 = tpu.memref_squeeze %dma_start3A_133 : memref<1x2000xi32, #tpu.memory_space<hbm>> -> memref<2000xi32, #tpu.memory_space<hbm>>
      %dma_start3A_135 = tpu.memref_slice %arg4[%run_scoped3A, %add3A_15] : memref<2x320000xi32, #tpu.memory_space<hbm>> -> memref<1x2000xi32, #tpu.memory_space<hbm>>
      %dma_start3A_136 = tpu.memref_squeeze %dma_start3A_135 : memref<1x2000xi32, #tpu.memory_space<hbm>> -> memref<2000xi32, #tpu.memory_space<hbm>>
      tpu.enqueue_dma source(%dma_start3A_136 : memref<2000xi32, #tpu.memory_space<hbm>>) target(%arg7 : memref<2000xi32, #tpu.memory_space<vmem>>) target_semaphore(%run_scoped3A_132 : memref<!tpu.dma_semaphore, #tpu.memory_space<semaphore_mem>>)
      %dma_wait3A_137 = tpu.memref_slice %arg4[%run_scoped3A, %add3A_15] : memref<2x320000xi32, #tpu.memory_space<hbm>> -> memref<1x2000xi32, #tpu.memory_space<hbm>>
      %dma_wait3A_138 = tpu.memref_squeeze %dma_wait3A_137 : memref<1x2000xi32, #tpu.memory_space<hbm>> -> memref<2000xi32, #tpu.memory_space<hbm>>
      %dma_wait3A_139 = tpu.memref_slice %arg4[%run_scoped3A, %add3A_15] : memref<2x320000xi32, #tpu.memory_space<hbm>> -> memref<1x2000xi32, #tpu.memory_space<hbm>>
      %dma_wait3A_140 = tpu.memref_squeeze %dma_wait3A_139 : memref<1x2000xi32, #tpu.memory_space<hbm>> -> memref<2000xi32, #tpu.memory_space<hbm>>
      tpu.wait_dma2 semaphore(%run_scoped3A_132 : memref<!tpu.dma_semaphore, #tpu.memory_space<semaphore_mem>>) src(%dma_wait3A_140 : memref<2000xi32, #tpu.memory_space<hbm>>) dst(%arg7 : memref<2000xi32, #tpu.memory_space<vmem>>)
      tpu.yield
    }) : () -> ()
    %add3A_16 = arith.constant 0 : i32
    %add3A_17 = arith.addi %mul3A_2, %add3A_16 : i32
    %run_scoped3A_18 = arith.constant 1 : i32
    "tpu.region"() ({
      %run_scoped3A_132 = tpu.sem_alloc : memref<!tpu.dma_semaphore, #tpu.memory_space<semaphore_mem>>
      %dma_start3A_133 = tpu.memref_slice %arg4[%run_scoped3A_18, %add3A_17] : memref<2x320000xi32, #tpu.memory_space<hbm>> -> memref<1x2000xi32, #tpu.memory_space<hbm>>
      %dma_start3A_134 = tpu.memref_squeeze %dma_start3A_133 : memref<1x2000xi32, #tpu.memory_space<hbm>> -> memref<2000xi32, #tpu.memory_space<hbm>>
      %dma_start3A_135 = tpu.memref_slice %arg4[%run_scoped3A_18, %add3A_17] : memref<2x320000xi32, #tpu.memory_space<hbm>> -> memref<1x2000xi32, #tpu.memory_space<hbm>>
      %dma_start3A_136 = tpu.memref_squeeze %dma_start3A_135 : memref<1x2000xi32, #tpu.memory_space<hbm>> -> memref<2000xi32, #tpu.memory_space<hbm>>
      tpu.enqueue_dma source(%dma_start3A_136 : memref<2000xi32, #tpu.memory_space<hbm>>) target(%arg8 : memref<2000xi32, #tpu.memory_space<vmem>>) target_semaphore(%run_scoped3A_132 : memref<!tpu.dma_semaphore, #tpu.memory_space<semaphore_mem>>)
      %dma_wait3A_137 = tpu.memref_slice %arg4[%run_scoped3A_18, %add3A_17] : memref<2x320000xi32, #tpu.memory_space<hbm>> -> memref<1x2000xi32, #tpu.memory_space<hbm>>
      %dma_wait3A_138 = tpu.memref_squeeze %dma_wait3A_137 : memref<1x2000xi32, #tpu.memory_space<hbm>> -> memref<2000xi32, #tpu.memory_space<hbm>>
      %dma_wait3A_139 = tpu.memref_slice %arg4[%run_scoped3A_18, %add3A_17] : memref<2x320000xi32, #tpu.memory_space<hbm>> -> memref<1x2000xi32, #tpu.memory_space<hbm>>
      %dma_wait3A_140 = tpu.memref_squeeze %dma_wait3A_139 : memref<1x2000xi32, #tpu.memory_space<hbm>> -> memref<2000xi32, #tpu.memory_space<hbm>>
      tpu.wait_dma2 semaphore(%run_scoped3A_132 : memref<!tpu.dma_semaphore, #tpu.memory_space<semaphore_mem>>) src(%dma_wait3A_140 : memref<2000xi32, #tpu.memory_space<hbm>>) dst(%arg8 : memref<2000xi32, #tpu.memory_space<vmem>>)
      tpu.yield
    }) : () -> ()
    %dma_start3A = arith.constant 0 : i32
    %dma_start3A_19 = arith.constant 0 : i32
    %dma_start3A_20 = tpu.memref_slice %arg2[%dma_start3A, %dma_start3A_19] : memref<10000x5xf32, #tpu.memory_space<hbm>> -> memref<10000x5xf32, #tpu.memory_space<hbm>>
    tpu.enqueue_indirect_dma source(%dma_start3A_20 : memref<10000x5xf32, #tpu.memory_space<hbm>>) target(%arg10 : memref<2000x5xf32, #tpu.memory_space<vmem>>) offsets(%arg7 : memref<2000xi32, #tpu.memory_space<vmem>>) semaphore(%arg15 : memref<!tpu.dma_semaphore, #tpu.memory_space<semaphore_mem>>)
    %dma_start3A_21 = arith.constant 0 : i32
    %dma_start3A_22 = arith.constant 0 : i32
    %dma_start3A_23 = tpu.memref_slice %arg3[%dma_start3A_21, %dma_start3A_22] : memref<10000x5xf32, #tpu.memory_space<hbm>> -> memref<10000x5xf32, #tpu.memory_space<hbm>>
    tpu.enqueue_indirect_dma source(%dma_start3A_23 : memref<10000x5xf32, #tpu.memory_space<hbm>>) target(%arg12 : memref<2000x5xf32, #tpu.memory_space<vmem>>) offsets(%arg8 : memref<2000xi32, #tpu.memory_space<vmem>>) semaphore(%arg17 : memref<!tpu.dma_semaphore, #tpu.memory_space<semaphore_mem>>)
    "tpu.region"() ({
      %run_scoped3A_132 = tpu.sem_alloc : memref<!tpu.dma_semaphore, #tpu.memory_space<semaphore_mem>>
      tpu.enqueue_dma source(%arg5 : memref<60672xf32, #tpu.memory_space<hbm>>) target(%arg14 : memref<60672xf32, #tpu.memory_space<vmem>>) target_semaphore(%run_scoped3A_132 : memref<!tpu.dma_semaphore, #tpu.memory_space<semaphore_mem>>)
      tpu.wait_dma2 semaphore(%run_scoped3A_132 : memref<!tpu.dma_semaphore, #tpu.memory_space<semaphore_mem>>) src(%arg5 : memref<60672xf32, #tpu.memory_space<hbm>>) dst(%arg14 : memref<60672xf32, #tpu.memory_space<vmem>>)
      tpu.yield
    }) : () -> ()
    %dma_wait3A = arith.constant 0 : i32
    %dma_wait3A_24 = arith.constant 0 : i32
    %dma_wait3A_25 = tpu.memref_slice %arg2[%dma_wait3A, %dma_wait3A_24] : memref<10000x5xf32, #tpu.memory_space<hbm>> -> memref<10000x5xf32, #tpu.memory_space<hbm>>
    tpu.wait_indirect_dma semaphore(%arg15 : memref<!tpu.dma_semaphore, #tpu.memory_space<semaphore_mem>>) src(%dma_wait3A_25 : memref<10000x5xf32, #tpu.memory_space<hbm>>) dst(%arg10 : memref<2000x5xf32, #tpu.memory_space<vmem>>)
    %dma_wait3A_26 = arith.constant 0 : i32
    %dma_wait3A_27 = arith.constant 0 : i32
    %dma_wait3A_28 = tpu.memref_slice %arg3[%dma_wait3A_26, %dma_wait3A_27] : memref<10000x5xf32, #tpu.memory_space<hbm>> -> memref<10000x5xf32, #tpu.memory_space<hbm>>
    tpu.wait_indirect_dma semaphore(%arg17 : memref<!tpu.dma_semaphore, #tpu.memory_space<semaphore_mem>>) src(%dma_wait3A_28 : memref<10000x5xf32, #tpu.memory_space<hbm>>) dst(%arg12 : memref<2000x5xf32, #tpu.memory_space<vmem>>)
    %add3A_29 = arith.constant 2000 : i32
    %add3A_30 = arith.addi %mul3A_2, %add3A_29 : i32
    %run_scoped3A_31 = arith.constant 0 : i32
    "tpu.region"() ({
      %run_scoped3A_132 = tpu.sem_alloc : memref<!tpu.dma_semaphore, #tpu.memory_space<semaphore_mem>>
      %dma_start3A_133 = tpu.memref_slice %arg4[%run_scoped3A_31, %add3A_30] : memref<2x320000xi32, #tpu.memory_space<hbm>> -> memref<1x2000xi32, #tpu.memory_space<hbm>>
      %dma_start3A_134 = tpu.memref_squeeze %dma_start3A_133 : memref<1x2000xi32, #tpu.memory_space<hbm>> -> memref<2000xi32, #tpu.memory_space<hbm>>
      %dma_start3A_135 = tpu.memref_slice %arg4[%run_scoped3A_31, %add3A_30] : memref<2x320000xi32, #tpu.memory_space<hbm>> -> memref<1x2000xi32, #tpu.memory_space<hbm>>
      %dma_start3A_136 = tpu.memref_squeeze %dma_start3A_135 : memref<1x2000xi32, #tpu.memory_space<hbm>> -> memref<2000xi32, #tpu.memory_space<hbm>>
      tpu.enqueue_dma source(%dma_start3A_136 : memref<2000xi32, #tpu.memory_space<hbm>>) target(%arg7 : memref<2000xi32, #tpu.memory_space<vmem>>) target_semaphore(%run_scoped3A_132 : memref<!tpu.dma_semaphore, #tpu.memory_space<semaphore_mem>>)
      %dma_wait3A_137 = tpu.memref_slice %arg4[%run_scoped3A_31, %add3A_30] : memref<2x320000xi32, #tpu.memory_space<hbm>> -> memref<1x2000xi32, #tpu.memory_space<hbm>>
      %dma_wait3A_138 = tpu.memref_squeeze %dma_wait3A_137 : memref<1x2000xi32, #tpu.memory_space<hbm>> -> memref<2000xi32, #tpu.memory_space<hbm>>
      %dma_wait3A_139 = tpu.memref_slice %arg4[%run_scoped3A_31, %add3A_30] : memref<2x320000xi32, #tpu.memory_space<hbm>> -> memref<1x2000xi32, #tpu.memory_space<hbm>>
      %dma_wait3A_140 = tpu.memref_squeeze %dma_wait3A_139 : memref<1x2000xi32, #tpu.memory_space<hbm>> -> memref<2000xi32, #tpu.memory_space<hbm>>
      tpu.wait_dma2 semaphore(%run_scoped3A_132 : memref<!tpu.dma_semaphore, #tpu.memory_space<semaphore_mem>>) src(%dma_wait3A_140 : memref<2000xi32, #tpu.memory_space<hbm>>) dst(%arg7 : memref<2000xi32, #tpu.memory_space<vmem>>)
      tpu.yield
    }) : () -> ()
    %add3A_32 = arith.constant 2000 : i32
    %add3A_33 = arith.addi %mul3A_2, %add3A_32 : i32
    %run_scoped3A_34 = arith.constant 1 : i32
    "tpu.region"() ({
      %run_scoped3A_132 = tpu.sem_alloc : memref<!tpu.dma_semaphore, #tpu.memory_space<semaphore_mem>>
      %dma_start3A_133 = tpu.memref_slice %arg4[%run_scoped3A_34, %add3A_33] : memref<2x320000xi32, #tpu.memory_space<hbm>> -> memref<1x2000xi32, #tpu.memory_space<hbm>>
      %dma_start3A_134 = tpu.memref_squeeze %dma_start3A_133 : memref<1x2000xi32, #tpu.memory_space<hbm>> -> memref<2000xi32, #tpu.memory_space<hbm>>
      %dma_start3A_135 = tpu.memref_slice %arg4[%run_scoped3A_34, %add3A_33] : memref<2x320000xi32, #tpu.memory_space<hbm>> -> memref<1x2000xi32, #tpu.memory_space<hbm>>
      %dma_start3A_136 = tpu.memref_squeeze %dma_start3A_135 : memref<1x2000xi32, #tpu.memory_space<hbm>> -> memref<2000xi32, #tpu.memory_space<hbm>>
      tpu.enqueue_dma source(%dma_start3A_136 : memref<2000xi32, #tpu.memory_space<hbm>>) target(%arg9 : memref<2000xi32, #tpu.memory_space<vmem>>) target_semaphore(%run_scoped3A_132 : memref<!tpu.dma_semaphore, #tpu.memory_space<semaphore_mem>>)
      %dma_wait3A_137 = tpu.memref_slice %arg4[%run_scoped3A_34, %add3A_33] : memref<2x320000xi32, #tpu.memory_space<hbm>> -> memref<1x2000xi32, #tpu.memory_space<hbm>>
      %dma_wait3A_138 = tpu.memref_squeeze %dma_wait3A_137 : memref<1x2000xi32, #tpu.memory_space<hbm>> -> memref<2000xi32, #tpu.memory_space<hbm>>
      %dma_wait3A_139 = tpu.memref_slice %arg4[%run_scoped3A_34, %add3A_33] : memref<2x320000xi32, #tpu.memory_space<hbm>> -> memref<1x2000xi32, #tpu.memory_space<hbm>>
      %dma_wait3A_140 = tpu.memref_squeeze %dma_wait3A_139 : memref<1x2000xi32, #tpu.memory_space<hbm>> -> memref<2000xi32, #tpu.memory_space<hbm>>
      tpu.wait_dma2 semaphore(%run_scoped3A_132 : memref<!tpu.dma_semaphore, #tpu.memory_space<semaphore_mem>>) src(%dma_wait3A_140 : memref<2000xi32, #tpu.memory_space<hbm>>) dst(%arg9 : memref<2000xi32, #tpu.memory_space<vmem>>)
      tpu.yield
    }) : () -> ()
    %dma_start3A_35 = arith.constant 0 : i32
    %dma_start3A_36 = arith.constant 0 : i32
    %dma_start3A_37 = tpu.memref_slice %arg2[%dma_start3A_35, %dma_start3A_36] : memref<10000x5xf32, #tpu.memory_space<hbm>> -> memref<10000x5xf32, #tpu.memory_space<hbm>>
    tpu.enqueue_indirect_dma source(%dma_start3A_37 : memref<10000x5xf32, #tpu.memory_space<hbm>>) target(%arg11 : memref<2000x5xf32, #tpu.memory_space<vmem>>) offsets(%arg7 : memref<2000xi32, #tpu.memory_space<vmem>>) semaphore(%arg16 : memref<!tpu.dma_semaphore, #tpu.memory_space<semaphore_mem>>)
    %dma_start3A_38 = arith.constant 0 : i32
    %dma_start3A_39 = arith.constant 0 : i32
    %dma_start3A_40 = tpu.memref_slice %arg3[%dma_start3A_38, %dma_start3A_39] : memref<10000x5xf32, #tpu.memory_space<hbm>> -> memref<10000x5xf32, #tpu.memory_space<hbm>>
    tpu.enqueue_indirect_dma source(%dma_start3A_40 : memref<10000x5xf32, #tpu.memory_space<hbm>>) target(%arg13 : memref<2000x5xf32, #tpu.memory_space<vmem>>) offsets(%arg9 : memref<2000xi32, #tpu.memory_space<vmem>>) semaphore(%arg18 : memref<!tpu.dma_semaphore, #tpu.memory_space<semaphore_mem>>)
    %scan3A = arith.constant 0 : i32
    %scan3A_41 = arith.constant 0 : i32
    %scan3A_42 = arith.constant 125 : i32
    %scan3A_43 = arith.addi %scan3A_41, %scan3A_42 : i32
    %scan3A_44 = arith.constant 1 : i32
    scf.for %scan3A_132 = %scan3A_41 to %scan3A_43 step %scan3A_44  : i32 {
      %mul3A_133 = arith.constant 16 : i32
      %mul3A_134 = arith.muli %scan3A_132, %mul3A_133 : i32
      %add3A_135 = vector.broadcast %mul3A_134 : i32 to vector<16xi32>
      %add3A_136 = arith.addi %add3A_135, %iota3A : vector<16xi32>
      %mul3A_137 = arith.constant 16 : i32
      %mul3A_138 = arith.muli %scan3A_132, %mul3A_137 : i32
      %get3A = arith.index_cast %mul3A_138 : i32 to index
      %get3A_139 = tpu.vector_load %arg8[%get3A] {strides = array<i32>} : memref<2000xi32, #tpu.memory_space<vmem>>, vector<16xi32>,
      %gather3A = tpu.vector_load_idx %arg10[%add3A_136, %broadcast_in_dim3A_3] : memref<2000x5xf32, #tpu.memory_space<vmem>>[vector<16xi32>, vector<16xi32>], vector<16xf32>,
      %gather3A_140 = tpu.vector_load_idx %arg12[%add3A_136, %broadcast_in_dim3A_3] : memref<2000x5xf32, #tpu.memory_space<vmem>>[vector<16xi32>, vector<16xi32>], vector<16xf32>,
      %add3A_141 = arith.addf %gather3A, %gather3A_140 : vector<16xf32>
      %gather3A_142 = tpu.vector_load_idx %arg10[%add3A_136, %broadcast_in_dim3A_5] : memref<2000x5xf32, #tpu.memory_space<vmem>>[vector<16xi32>, vector<16xi32>], vector<16xf32>,
      %gather3A_143 = tpu.vector_load_idx %arg12[%add3A_136, %broadcast_in_dim3A_5] : memref<2000x5xf32, #tpu.memory_space<vmem>>[vector<16xi32>, vector<16xi32>], vector<16xf32>,
      %add3A_144 = arith.addf %gather3A_142, %gather3A_143 : vector<16xf32>
      %gather3A_145 = tpu.vector_load_idx %arg10[%add3A_136, %broadcast_in_dim3A_7] : memref<2000x5xf32, #tpu.memory_space<vmem>>[vector<16xi32>, vector<16xi32>], vector<16xf32>,
      %gather3A_146 = tpu.vector_load_idx %arg12[%add3A_136, %broadcast_in_dim3A_7] : memref<2000x5xf32, #tpu.memory_space<vmem>>[vector<16xi32>, vector<16xi32>], vector<16xf32>,
      %add3A_147 = arith.addf %gather3A_145, %gather3A_146 : vector<16xf32>
      %gather3A_148 = tpu.vector_load_idx %arg10[%add3A_136, %broadcast_in_dim3A_9] : memref<2000x5xf32, #tpu.memory_space<vmem>>[vector<16xi32>, vector<16xi32>], vector<16xf32>,
      %gather3A_149 = tpu.vector_load_idx %arg12[%add3A_136, %broadcast_in_dim3A_9] : memref<2000x5xf32, #tpu.memory_space<vmem>>[vector<16xi32>, vector<16xi32>], vector<16xf32>,
      %add3A_150 = arith.addf %gather3A_148, %gather3A_149 : vector<16xf32>
      %gather3A_151 = tpu.vector_load_idx %arg10[%add3A_136, %broadcast_in_dim3A_11] : memref<2000x5xf32, #tpu.memory_space<vmem>>[vector<16xi32>, vector<16xi32>], vector<16xf32>,
      %gather3A_152 = tpu.vector_load_idx %arg12[%add3A_136, %broadcast_in_dim3A_11] : memref<2000x5xf32, #tpu.memory_space<vmem>>[vector<16xi32>, vector<16xi32>], vector<16xf32>,
      %add3A_153 = arith.addf %gather3A_151, %gather3A_152 : vector<16xf32>
      %ge3A = arith.constant 0.000000e+00 : f32
      %ge3A_154 = vector.broadcast %ge3A : f32 to vector<16xf32>
      %ge3A_155 = arith.cmpf oge, %add3A_141, %ge3A_154 : vector<16xf32>
      %mul3A_156 = arith.constant 0.00999999977 : f32
      %mul3A_157 = vector.broadcast %mul3A_156 : f32 to vector<16xf32>
      %mul3A_158 = arith.mulf %add3A_141, %mul3A_157 : vector<16xf32>
      %select_n3A = arith.select %ge3A_155, %add3A_141, %mul3A_158 : vector<16xi1>, vector<16xf32>
      %ge3A_159 = arith.constant 0.000000e+00 : f32
      %ge3A_160 = vector.broadcast %ge3A_159 : f32 to vector<16xf32>
      %ge3A_161 = arith.cmpf oge, %add3A_144, %ge3A_160 : vector<16xf32>
      %mul3A_162 = arith.constant 0.00999999977 : f32
      %mul3A_163 = vector.broadcast %mul3A_162 : f32 to vector<16xf32>
      %mul3A_164 = arith.mulf %add3A_144, %mul3A_163 : vector<16xf32>
      %select_n3A_165 = arith.select %ge3A_161, %add3A_144, %mul3A_164 : vector<16xi1>, vector<16xf32>
      %ge3A_166 = arith.constant 0.000000e+00 : f32
      %ge3A_167 = vector.broadcast %ge3A_166 : f32 to vector<16xf32>
      %ge3A_168 = arith.cmpf oge, %add3A_147, %ge3A_167 : vector<16xf32>
      %mul3A_169 = arith.constant 0.00999999977 : f32
      %mul3A_170 = vector.broadcast %mul3A_169 : f32 to vector<16xf32>
      %mul3A_171 = arith.mulf %add3A_147, %mul3A_170 : vector<16xf32>
      %select_n3A_172 = arith.select %ge3A_168, %add3A_147, %mul3A_171 : vector<16xi1>, vector<16xf32>
      %ge3A_173 = arith.constant 0.000000e+00 : f32
      %ge3A_174 = vector.broadcast %ge3A_173 : f32 to vector<16xf32>
      %ge3A_175 = arith.cmpf oge, %add3A_150, %ge3A_174 : vector<16xf32>
      %mul3A_176 = arith.constant 0.00999999977 : f32
      %mul3A_177 = vector.broadcast %mul3A_176 : f32 to vector<16xf32>
      %mul3A_178 = arith.mulf %add3A_150, %mul3A_177 : vector<16xf32>
      %select_n3A_179 = arith.select %ge3A_175, %add3A_150, %mul3A_178 : vector<16xi1>, vector<16xf32>
      %ge3A_180 = arith.constant 0.000000e+00 : f32
      %ge3A_181 = vector.broadcast %ge3A_180 : f32 to vector<16xf32>
      %ge3A_182 = arith.cmpf oge, %add3A_153, %ge3A_181 : vector<16xf32>
      %mul3A_183 = arith.constant 0.00999999977 : f32
      %mul3A_184 = vector.broadcast %mul3A_183 : f32 to vector<16xf32>
      %mul3A_185 = arith.mulf %add3A_153, %mul3A_184 : vector<16xf32>
      %select_n3A_186 = arith.select %ge3A_182, %add3A_153, %mul3A_185 : vector<16xi1>, vector<16xf32>
      %exp3A = math.exp %select_n3A : vector<16xf32>
      %exp3A_187 = math.exp %select_n3A_165 : vector<16xf32>
      %exp3A_188 = math.exp %select_n3A_172 : vector<16xf32>
      %exp3A_189 = math.exp %select_n3A_179 : vector<16xf32>
      %exp3A_190 = math.exp %select_n3A_186 : vector<16xf32>
      %add3A_191 = arith.addf %exp3A, %exp3A_187 : vector<16xf32>
      %add3A_192 = arith.addf %add3A_191, %exp3A_188 : vector<16xf32>
      %add3A_193 = arith.addf %add3A_192, %exp3A_189 : vector<16xf32>
      %add3A_194 = arith.addf %add3A_193, %exp3A_190 : vector<16xf32>
      %div3A = arith.constant 1.000000e+00 : f32
      %div3A_195 = vector.broadcast %div3A : f32 to vector<16xf32>
      %div3A_196 = arith.divf %div3A_195, %add3A_194 : vector<16xf32>
      %add3A_197 = arith.constant 0 : i32
      %add3A_198 = vector.broadcast %add3A_197 : i32 to vector<16xi32>
      %add3A_199 = arith.addi %get3A_139, %add3A_198 : vector<16xi32>
      %mul3A_200 = arith.mulf %exp3A, %div3A_196 : vector<16xf32>
      tpu.vector_store_idx %arg14[%add3A_199], %mul3A_200 {add = true} : memref<60672xf32, #tpu.memory_space<vmem>>[vector<16xi32>], vector<16xf32>,
      %add3A_201 = arith.constant 10112 : i32
      %add3A_202 = vector.broadcast %add3A_201 : i32 to vector<16xi32>
      %add3A_203 = arith.addi %get3A_139, %add3A_202 : vector<16xi32>
      %mul3A_204 = arith.mulf %exp3A_187, %div3A_196 : vector<16xf32>
      tpu.vector_store_idx %arg14[%add3A_203], %mul3A_204 {add = true} : memref<60672xf32, #tpu.memory_space<vmem>>[vector<16xi32>], vector<16xf32>,
      %add3A_205 = arith.constant 20224 : i32
      %add3A_206 = vector.broadcast %add3A_205 : i32 to vector<16xi32>
      %add3A_207 = arith.addi %get3A_139, %add3A_206 : vector<16xi32>
      %mul3A_208 = arith.mulf %exp3A_188, %div3A_196 : vector<16xf32>
      tpu.vector_store_idx %arg14[%add3A_207], %mul3A_208 {add = true} : memref<60672xf32, #tpu.memory_space<vmem>>[vector<16xi32>], vector<16xf32>,
      %add3A_209 = arith.constant 30336 : i32
      %add3A_210 = vector.broadcast %add3A_209 : i32 to vector<16xi32>
      %add3A_211 = arith.addi %get3A_139, %add3A_210 : vector<16xi32>
      %mul3A_212 = arith.mulf %exp3A_189, %div3A_196 : vector<16xf32>
      tpu.vector_store_idx %arg14[%add3A_211], %mul3A_212 {add = true} : memref<60672xf32, #tpu.memory_space<vmem>>[vector<16xi32>], vector<16xf32>,
      %add3A_213 = arith.constant 40448 : i32
      %add3A_214 = vector.broadcast %add3A_213 : i32 to vector<16xi32>
      %add3A_215 = arith.addi %get3A_139, %add3A_214 : vector<16xi32>
      %mul3A_216 = arith.mulf %exp3A_190, %div3A_196 : vector<16xf32>
      tpu.vector_store_idx %arg14[%add3A_215], %mul3A_216 {add = true} : memref<60672xf32, #tpu.memory_space<vmem>>[vector<16xi32>], vector<16xf32>,
      %add3A_217 = arith.constant 50560 : i32
      %add3A_218 = vector.broadcast %add3A_217 : i32 to vector<16xi32>
      %add3A_219 = arith.addi %get3A_139, %add3A_218 : vector<16xi32>
      tpu.vector_store_idx %arg14[%add3A_219], %broadcast_in_dim3A_13 {add = true} : memref<60672xf32, #tpu.memory_space<vmem>>[vector<16xi32>], vector<16xf32>,
    }
    %scan3A_45 = arith.constant 125 : i32
    %dma_wait3A_46 = arith.constant 0 : i32
    %dma_wait3A_47 = arith.constant 0 : i32
    %dma_wait3A_48 = tpu.memref_slice %arg2[%dma_wait3A_46, %dma_wait3A_47] : memref<10000x5xf32, #tpu.memory_space<hbm>> -> memref<10000x5xf32, #tpu.memory_space<hbm>>
    tpu.wait_indirect_dma semaphore(%arg16 : memref<!tpu.dma_semaphore, #tpu.memory_space<semaphore_mem>>) src(%dma_wait3A_48 : memref<10000x5xf32, #tpu.memory_space<hbm>>) dst(%arg11 : memref<2000x5xf32, #tpu.memory_space<vmem>>)
    %dma_wait3A_49 = arith.constant 0 : i32
    %dma_wait3A_50 = arith.constant 0 : i32
    %dma_wait3A_51 = tpu.memref_slice %arg3[%dma_wait3A_49, %dma_wait3A_50] : memref<10000x5xf32, #tpu.memory_space<hbm>> -> memref<10000x5xf32, #tpu.memory_space<hbm>>
    tpu.wait_indirect_dma semaphore(%arg18 : memref<!tpu.dma_semaphore, #tpu.memory_space<semaphore_mem>>) src(%dma_wait3A_51 : memref<10000x5xf32, #tpu.memory_space<hbm>>) dst(%arg13 : memref<2000x5xf32, #tpu.memory_space<vmem>>)
    %add3A_52 = arith.constant 4000 : i32
    %add3A_53 = arith.addi %mul3A_2, %add3A_52 : i32
    %run_scoped3A_54 = arith.constant 0 : i32
    "tpu.region"() ({
      %run_scoped3A_132 = tpu.sem_alloc : memref<!tpu.dma_semaphore, #tpu.memory_space<semaphore_mem>>
      %dma_start3A_133 = tpu.memref_slice %arg4[%run_scoped3A_54, %add3A_53] : memref<2x320000xi32, #tpu.memory_space<hbm>> -> memref<1x2000xi32, #tpu.memory_space<hbm>>
      %dma_start3A_134 = tpu.memref_squeeze %dma_start3A_133 : memref<1x2000xi32, #tpu.memory_space<hbm>> -> memref<2000xi32, #tpu.memory_space<hbm>>
      %dma_start3A_135 = tpu.memref_slice %arg4[%run_scoped3A_54, %add3A_53] : memref<2x320000xi32, #tpu.memory_space<hbm>> -> memref<1x2000xi32, #tpu.memory_space<hbm>>
      %dma_start3A_136 = tpu.memref_squeeze %dma_start3A_135 : memref<1x2000xi32, #tpu.memory_space<hbm>> -> memref<2000xi32, #tpu.memory_space<hbm>>
      tpu.enqueue_dma source(%dma_start3A_136 : memref<2000xi32, #tpu.memory_space<hbm>>) target(%arg7 : memref<2000xi32, #tpu.memory_space<vmem>>) target_semaphore(%run_scoped3A_132 : memref<!tpu.dma_semaphore, #tpu.memory_space<semaphore_mem>>)
      %dma_wait3A_137 = tpu.memref_slice %arg4[%run_scoped3A_54, %add3A_53] : memref<2x320000xi32, #tpu.memory_space<hbm>> -> memref<1x2000xi32, #tpu.memory_space<hbm>>
      %dma_wait3A_138 = tpu.memref_squeeze %dma_wait3A_137 : memref<1x2000xi32, #tpu.memory_space<hbm>> -> memref<2000xi32, #tpu.memory_space<hbm>>
      %dma_wait3A_139 = tpu.memref_slice %arg4[%run_scoped3A_54, %add3A_53] : memref<2x320000xi32, #tpu.memory_space<hbm>> -> memref<1x2000xi32, #tpu.memory_space<hbm>>
      %dma_wait3A_140 = tpu.memref_squeeze %dma_wait3A_139 : memref<1x2000xi32, #tpu.memory_space<hbm>> -> memref<2000xi32, #tpu.memory_space<hbm>>
      tpu.wait_dma2 semaphore(%run_scoped3A_132 : memref<!tpu.dma_semaphore, #tpu.memory_space<semaphore_mem>>) src(%dma_wait3A_140 : memref<2000xi32, #tpu.memory_space<hbm>>) dst(%arg7 : memref<2000xi32, #tpu.memory_space<vmem>>)
      tpu.yield
    }) : () -> ()
    %add3A_55 = arith.constant 4000 : i32
    %add3A_56 = arith.addi %mul3A_2, %add3A_55 : i32
    %run_scoped3A_57 = arith.constant 1 : i32
    "tpu.region"() ({
      %run_scoped3A_132 = tpu.sem_alloc : memref<!tpu.dma_semaphore, #tpu.memory_space<semaphore_mem>>
      %dma_start3A_133 = tpu.memref_slice %arg4[%run_scoped3A_57, %add3A_56] : memref<2x320000xi32, #tpu.memory_space<hbm>> -> memref<1x2000xi32, #tpu.memory_space<hbm>>
      %dma_start3A_134 = tpu.memref_squeeze %dma_start3A_133 : memref<1x2000xi32, #tpu.memory_space<hbm>> -> memref<2000xi32, #tpu.memory_space<hbm>>
      %dma_start3A_135 = tpu.memref_slice %arg4[%run_scoped3A_57, %add3A_56] : memref<2x320000xi32, #tpu.memory_space<hbm>> -> memref<1x2000xi32, #tpu.memory_space<hbm>>
      %dma_start3A_136 = tpu.memref_squeeze %dma_start3A_135 : memref<1x2000xi32, #tpu.memory_space<hbm>> -> memref<2000xi32, #tpu.memory_space<hbm>>
      tpu.enqueue_dma source(%dma_start3A_136 : memref<2000xi32, #tpu.memory_space<hbm>>) target(%arg8 : memref<2000xi32, #tpu.memory_space<vmem>>) target_semaphore(%run_scoped3A_132 : memref<!tpu.dma_semaphore, #tpu.memory_space<semaphore_mem>>)
      %dma_wait3A_137 = tpu.memref_slice %arg4[%run_scoped3A_57, %add3A_56] : memref<2x320000xi32, #tpu.memory_space<hbm>> -> memref<1x2000xi32, #tpu.memory_space<hbm>>
      %dma_wait3A_138 = tpu.memref_squeeze %dma_wait3A_137 : memref<1x2000xi32, #tpu.memory_space<hbm>> -> memref<2000xi32, #tpu.memory_space<hbm>>
      %dma_wait3A_139 = tpu.memref_slice %arg4[%run_scoped3A_57, %add3A_56] : memref<2x320000xi32, #tpu.memory_space<hbm>> -> memref<1x2000xi32, #tpu.memory_space<hbm>>
      %dma_wait3A_140 = tpu.memref_squeeze %dma_wait3A_139 : memref<1x2000xi32, #tpu.memory_space<hbm>> -> memref<2000xi32, #tpu.memory_space<hbm>>
      tpu.wait_dma2 semaphore(%run_scoped3A_132 : memref<!tpu.dma_semaphore, #tpu.memory_space<semaphore_mem>>) src(%dma_wait3A_140 : memref<2000xi32, #tpu.memory_space<hbm>>) dst(%arg8 : memref<2000xi32, #tpu.memory_space<vmem>>)
      tpu.yield
    }) : () -> ()
    %dma_start3A_58 = arith.constant 0 : i32
    %dma_start3A_59 = arith.constant 0 : i32
    %dma_start3A_60 = tpu.memref_slice %arg2[%dma_start3A_58, %dma_start3A_59] : memref<10000x5xf32, #tpu.memory_space<hbm>> -> memref<10000x5xf32, #tpu.memory_space<hbm>>
    tpu.enqueue_indirect_dma source(%dma_start3A_60 : memref<10000x5xf32, #tpu.memory_space<hbm>>) target(%arg10 : memref<2000x5xf32, #tpu.memory_space<vmem>>) offsets(%arg7 : memref<2000xi32, #tpu.memory_space<vmem>>) semaphore(%arg15 : memref<!tpu.dma_semaphore, #tpu.memory_space<semaphore_mem>>)
    %dma_start3A_61 = arith.constant 0 : i32
    %dma_start3A_62 = arith.constant 0 : i32
    %dma_start3A_63 = tpu.memref_slice %arg3[%dma_start3A_61, %dma_start3A_62] : memref<10000x5xf32, #tpu.memory_space<hbm>> -> memref<10000x5xf32, #tpu.memory_space<hbm>>
    tpu.enqueue_indirect_dma source(%dma_start3A_63 : memref<10000x5xf32, #tpu.memory_space<hbm>>) target(%arg12 : memref<2000x5xf32, #tpu.memory_space<vmem>>) offsets(%arg8 : memref<2000xi32, #tpu.memory_space<vmem>>) semaphore(%arg17 : memref<!tpu.dma_semaphore, #tpu.memory_space<semaphore_mem>>)
    %scan3A_64 = arith.constant 0 : i32
    %scan3A_65 = arith.constant 0 : i32
    %scan3A_66 = arith.constant 125 : i32
    %scan3A_67 = arith.addi %scan3A_65, %scan3A_66 : i32
    %scan3A_68 = arith.constant 1 : i32
    scf.for %scan3A_132 = %scan3A_65 to %scan3A_67 step %scan3A_68  : i32 {
      %mul3A_133 = arith.constant 16 : i32
      %mul3A_134 = arith.muli %scan3A_132, %mul3A_133 : i32
      %add3A_135 = vector.broadcast %mul3A_134 : i32 to vector<16xi32>
      %add3A_136 = arith.addi %add3A_135, %iota3A : vector<16xi32>
      %mul3A_137 = arith.constant 16 : i32
      %mul3A_138 = arith.muli %scan3A_132, %mul3A_137 : i32
      %get3A = arith.index_cast %mul3A_138 : i32 to index
      %get3A_139 = tpu.vector_load %arg9[%get3A] {strides = array<i32>} : memref<2000xi32, #tpu.memory_space<vmem>>, vector<16xi32>,
      %gather3A = tpu.vector_load_idx %arg11[%add3A_136, %broadcast_in_dim3A_3] : memref<2000x5xf32, #tpu.memory_space<vmem>>[vector<16xi32>, vector<16xi32>], vector<16xf32>,
      %gather3A_140 = tpu.vector_load_idx %arg13[%add3A_136, %broadcast_in_dim3A_3] : memref<2000x5xf32, #tpu.memory_space<vmem>>[vector<16xi32>, vector<16xi32>], vector<16xf32>,
      %add3A_141 = arith.addf %gather3A, %gather3A_140 : vector<16xf32>
      %gather3A_142 = tpu.vector_load_idx %arg11[%add3A_136, %broadcast_in_dim3A_5] : memref<2000x5xf32, #tpu.memory_space<vmem>>[vector<16xi32>, vector<16xi32>], vector<16xf32>,
      %gather3A_143 = tpu.vector_load_idx %arg13[%add3A_136, %broadcast_in_dim3A_5] : memref<2000x5xf32, #tpu.memory_space<vmem>>[vector<16xi32>, vector<16xi32>], vector<16xf32>,
      %add3A_144 = arith.addf %gather3A_142, %gather3A_143 : vector<16xf32>
      %gather3A_145 = tpu.vector_load_idx %arg11[%add3A_136, %broadcast_in_dim3A_7] : memref<2000x5xf32, #tpu.memory_space<vmem>>[vector<16xi32>, vector<16xi32>], vector<16xf32>,
      %gather3A_146 = tpu.vector_load_idx %arg13[%add3A_136, %broadcast_in_dim3A_7] : memref<2000x5xf32, #tpu.memory_space<vmem>>[vector<16xi32>, vector<16xi32>], vector<16xf32>,
      %add3A_147 = arith.addf %gather3A_145, %gather3A_146 : vector<16xf32>
      %gather3A_148 = tpu.vector_load_idx %arg11[%add3A_136, %broadcast_in_dim3A_9] : memref<2000x5xf32, #tpu.memory_space<vmem>>[vector<16xi32>, vector<16xi32>], vector<16xf32>,
      %gather3A_149 = tpu.vector_load_idx %arg13[%add3A_136, %broadcast_in_dim3A_9] : memref<2000x5xf32, #tpu.memory_space<vmem>>[vector<16xi32>, vector<16xi32>], vector<16xf32>,
      %add3A_150 = arith.addf %gather3A_148, %gather3A_149 : vector<16xf32>
      %gather3A_151 = tpu.vector_load_idx %arg11[%add3A_136, %broadcast_in_dim3A_11] : memref<2000x5xf32, #tpu.memory_space<vmem>>[vector<16xi32>, vector<16xi32>], vector<16xf32>,
      %gather3A_152 = tpu.vector_load_idx %arg13[%add3A_136, %broadcast_in_dim3A_11] : memref<2000x5xf32, #tpu.memory_space<vmem>>[vector<16xi32>, vector<16xi32>], vector<16xf32>,
      %add3A_153 = arith.addf %gather3A_151, %gather3A_152 : vector<16xf32>
      %ge3A = arith.constant 0.000000e+00 : f32
      %ge3A_154 = vector.broadcast %ge3A : f32 to vector<16xf32>
      %ge3A_155 = arith.cmpf oge, %add3A_141, %ge3A_154 : vector<16xf32>
      %mul3A_156 = arith.constant 0.00999999977 : f32
      %mul3A_157 = vector.broadcast %mul3A_156 : f32 to vector<16xf32>
      %mul3A_158 = arith.mulf %add3A_141, %mul3A_157 : vector<16xf32>
      %select_n3A = arith.select %ge3A_155, %add3A_141, %mul3A_158 : vector<16xi1>, vector<16xf32>
      %ge3A_159 = arith.constant 0.000000e+00 : f32
      %ge3A_160 = vector.broadcast %ge3A_159 : f32 to vector<16xf32>
      %ge3A_161 = arith.cmpf oge, %add3A_144, %ge3A_160 : vector<16xf32>
      %mul3A_162 = arith.constant 0.00999999977 : f32
      %mul3A_163 = vector.broadcast %mul3A_162 : f32 to vector<16xf32>
      %mul3A_164 = arith.mulf %add3A_144, %mul3A_163 : vector<16xf32>
      %select_n3A_165 = arith.select %ge3A_161, %add3A_144, %mul3A_164 : vector<16xi1>, vector<16xf32>
      %ge3A_166 = arith.constant 0.000000e+00 : f32
      %ge3A_167 = vector.broadcast %ge3A_166 : f32 to vector<16xf32>
      %ge3A_168 = arith.cmpf oge, %add3A_147, %ge3A_167 : vector<16xf32>
      %mul3A_169 = arith.constant 0.00999999977 : f32
      %mul3A_170 = vector.broadcast %mul3A_169 : f32 to vector<16xf32>
      %mul3A_171 = arith.mulf %add3A_147, %mul3A_170 : vector<16xf32>
      %select_n3A_172 = arith.select %ge3A_168, %add3A_147, %mul3A_171 : vector<16xi1>, vector<16xf32>
      %ge3A_173 = arith.constant 0.000000e+00 : f32
      %ge3A_174 = vector.broadcast %ge3A_173 : f32 to vector<16xf32>
      %ge3A_175 = arith.cmpf oge, %add3A_150, %ge3A_174 : vector<16xf32>
      %mul3A_176 = arith.constant 0.00999999977 : f32
      %mul3A_177 = vector.broadcast %mul3A_176 : f32 to vector<16xf32>
      %mul3A_178 = arith.mulf %add3A_150, %mul3A_177 : vector<16xf32>
      %select_n3A_179 = arith.select %ge3A_175, %add3A_150, %mul3A_178 : vector<16xi1>, vector<16xf32>
      %ge3A_180 = arith.constant 0.000000e+00 : f32
      %ge3A_181 = vector.broadcast %ge3A_180 : f32 to vector<16xf32>
      %ge3A_182 = arith.cmpf oge, %add3A_153, %ge3A_181 : vector<16xf32>
      %mul3A_183 = arith.constant 0.00999999977 : f32
      %mul3A_184 = vector.broadcast %mul3A_183 : f32 to vector<16xf32>
      %mul3A_185 = arith.mulf %add3A_153, %mul3A_184 : vector<16xf32>
      %select_n3A_186 = arith.select %ge3A_182, %add3A_153, %mul3A_185 : vector<16xi1>, vector<16xf32>
      %exp3A = math.exp %select_n3A : vector<16xf32>
      %exp3A_187 = math.exp %select_n3A_165 : vector<16xf32>
      %exp3A_188 = math.exp %select_n3A_172 : vector<16xf32>
      %exp3A_189 = math.exp %select_n3A_179 : vector<16xf32>
      %exp3A_190 = math.exp %select_n3A_186 : vector<16xf32>
      %add3A_191 = arith.addf %exp3A, %exp3A_187 : vector<16xf32>
      %add3A_192 = arith.addf %add3A_191, %exp3A_188 : vector<16xf32>
      %add3A_193 = arith.addf %add3A_192, %exp3A_189 : vector<16xf32>
      %add3A_194 = arith.addf %add3A_193, %exp3A_190 : vector<16xf32>
      %div3A = arith.constant 1.000000e+00 : f32
      %div3A_195 = vector.broadcast %div3A : f32 to vector<16xf32>
      %div3A_196 = arith.divf %div3A_195, %add3A_194 : vector<16xf32>
      %add3A_197 = arith.constant 0 : i32
      %add3A_198 = vector.broadcast %add3A_197 : i32 to vector<16xi32>
      %add3A_199 = arith.addi %get3A_139, %add3A_198 : vector<16xi32>
      %mul3A_200 = arith.mulf %exp3A, %div3A_196 : vector<16xf32>
      tpu.vector_store_idx %arg14[%add3A_199], %mul3A_200 {add = true} : memref<60672xf32, #tpu.memory_space<vmem>>[vector<16xi32>], vector<16xf32>,
      %add3A_201 = arith.constant 10112 : i32
      %add3A_202 = vector.broadcast %add3A_201 : i32 to vector<16xi32>
      %add3A_203 = arith.addi %get3A_139, %add3A_202 : vector<16xi32>
      %mul3A_204 = arith.mulf %exp3A_187, %div3A_196 : vector<16xf32>
      tpu.vector_store_idx %arg14[%add3A_203], %mul3A_204 {add = true} : memref<60672xf32, #tpu.memory_space<vmem>>[vector<16xi32>], vector<16xf32>,
      %add3A_205 = arith.constant 20224 : i32
      %add3A_206 = vector.broadcast %add3A_205 : i32 to vector<16xi32>
      %add3A_207 = arith.addi %get3A_139, %add3A_206 : vector<16xi32>
      %mul3A_208 = arith.mulf %exp3A_188, %div3A_196 : vector<16xf32>
      tpu.vector_store_idx %arg14[%add3A_207], %mul3A_208 {add = true} : memref<60672xf32, #tpu.memory_space<vmem>>[vector<16xi32>], vector<16xf32>,
      %add3A_209 = arith.constant 30336 : i32
      %add3A_210 = vector.broadcast %add3A_209 : i32 to vector<16xi32>
      %add3A_211 = arith.addi %get3A_139, %add3A_210 : vector<16xi32>
      %mul3A_212 = arith.mulf %exp3A_189, %div3A_196 : vector<16xf32>
      tpu.vector_store_idx %arg14[%add3A_211], %mul3A_212 {add = true} : memref<60672xf32, #tpu.memory_space<vmem>>[vector<16xi32>], vector<16xf32>,
      %add3A_213 = arith.constant 40448 : i32
      %add3A_214 = vector.broadcast %add3A_213 : i32 to vector<16xi32>
      %add3A_215 = arith.addi %get3A_139, %add3A_214 : vector<16xi32>
      %mul3A_216 = arith.mulf %exp3A_190, %div3A_196 : vector<16xf32>
      tpu.vector_store_idx %arg14[%add3A_215], %mul3A_216 {add = true} : memref<60672xf32, #tpu.memory_space<vmem>>[vector<16xi32>], vector<16xf32>,
      %add3A_217 = arith.constant 50560 : i32
      %add3A_218 = vector.broadcast %add3A_217 : i32 to vector<16xi32>
      %add3A_219 = arith.addi %get3A_139, %add3A_218 : vector<16xi32>
      tpu.vector_store_idx %arg14[%add3A_219], %broadcast_in_dim3A_13 {add = true} : memref<60672xf32, #tpu.memory_space<vmem>>[vector<16xi32>], vector<16xf32>,
    }
    %scan3A_69 = arith.constant 125 : i32
    %dma_wait3A_70 = arith.constant 0 : i32
    %dma_wait3A_71 = arith.constant 0 : i32
    %dma_wait3A_72 = tpu.memref_slice %arg2[%dma_wait3A_70, %dma_wait3A_71] : memref<10000x5xf32, #tpu.memory_space<hbm>> -> memref<10000x5xf32, #tpu.memory_space<hbm>>
    tpu.wait_indirect_dma semaphore(%arg15 : memref<!tpu.dma_semaphore, #tpu.memory_space<semaphore_mem>>) src(%dma_wait3A_72 : memref<10000x5xf32, #tpu.memory_space<hbm>>) dst(%arg10 : memref<2000x5xf32, #tpu.memory_space<vmem>>)
    %dma_wait3A_73 = arith.constant 0 : i32
    %dma_wait3A_74 = arith.constant 0 : i32
    %dma_wait3A_75 = tpu.memref_slice %arg3[%dma_wait3A_73, %dma_wait3A_74] : memref<10000x5xf32, #tpu.memory_space<hbm>> -> memref<10000x5xf32, #tpu.memory_space<hbm>>
    tpu.wait_indirect_dma semaphore(%arg17 : memref<!tpu.dma_semaphore, #tpu.memory_space<semaphore_mem>>) src(%dma_wait3A_75 : memref<10000x5xf32, #tpu.memory_space<hbm>>) dst(%arg12 : memref<2000x5xf32, #tpu.memory_space<vmem>>)
    %add3A_76 = arith.constant 6000 : i32
    %add3A_77 = arith.addi %mul3A_2, %add3A_76 : i32
    %run_scoped3A_78 = arith.constant 0 : i32
    "tpu.region"() ({
      %run_scoped3A_132 = tpu.sem_alloc : memref<!tpu.dma_semaphore, #tpu.memory_space<semaphore_mem>>
      %dma_start3A_133 = tpu.memref_slice %arg4[%run_scoped3A_78, %add3A_77] : memref<2x320000xi32, #tpu.memory_space<hbm>> -> memref<1x2000xi32, #tpu.memory_space<hbm>>
      %dma_start3A_134 = tpu.memref_squeeze %dma_start3A_133 : memref<1x2000xi32, #tpu.memory_space<hbm>> -> memref<2000xi32, #tpu.memory_space<hbm>>
      %dma_start3A_135 = tpu.memref_slice %arg4[%run_scoped3A_78, %add3A_77] : memref<2x320000xi32, #tpu.memory_space<hbm>> -> memref<1x2000xi32, #tpu.memory_space<hbm>>
      %dma_start3A_136 = tpu.memref_squeeze %dma_start3A_135 : memref<1x2000xi32, #tpu.memory_space<hbm>> -> memref<2000xi32, #tpu.memory_space<hbm>>
      tpu.enqueue_dma source(%dma_start3A_136 : memref<2000xi32, #tpu.memory_space<hbm>>) target(%arg7 : memref<2000xi32, #tpu.memory_space<vmem>>) target_semaphore(%run_scoped3A_132 : memref<!tpu.dma_semaphore, #tpu.memory_space<semaphore_mem>>)
      %dma_wait3A_137 = tpu.memref_slice %arg4[%run_scoped3A_78, %add3A_77] : memref<2x320000xi32, #tpu.memory_space<hbm>> -> memref<1x2000xi32, #tpu.memory_space<hbm>>
      %dma_wait3A_138 = tpu.memref_squeeze %dma_wait3A_137 : memref<1x2000xi32, #tpu.memory_space<hbm>> -> memref<2000xi32, #tpu.memory_space<hbm>>
      %dma_wait3A_139 = tpu.memref_slice %arg4[%run_scoped3A_78, %add3A_77] : memref<2x320000xi32, #tpu.memory_space<hbm>> -> memref<1x2000xi32, #tpu.memory_space<hbm>>
      %dma_wait3A_140 = tpu.memref_squeeze %dma_wait3A_139 : memref<1x2000xi32, #tpu.memory_space<hbm>> -> memref<2000xi32, #tpu.memory_space<hbm>>
      tpu.wait_dma2 semaphore(%run_scoped3A_132 : memref<!tpu.dma_semaphore, #tpu.memory_space<semaphore_mem>>) src(%dma_wait3A_140 : memref<2000xi32, #tpu.memory_space<hbm>>) dst(%arg7 : memref<2000xi32, #tpu.memory_space<vmem>>)
      tpu.yield
    }) : () -> ()
    %add3A_79 = arith.constant 6000 : i32
    %add3A_80 = arith.addi %mul3A_2, %add3A_79 : i32
    %run_scoped3A_81 = arith.constant 1 : i32
    "tpu.region"() ({
      %run_scoped3A_132 = tpu.sem_alloc : memref<!tpu.dma_semaphore, #tpu.memory_space<semaphore_mem>>
      %dma_start3A_133 = tpu.memref_slice %arg4[%run_scoped3A_81, %add3A_80] : memref<2x320000xi32, #tpu.memory_space<hbm>> -> memref<1x2000xi32, #tpu.memory_space<hbm>>
      %dma_start3A_134 = tpu.memref_squeeze %dma_start3A_133 : memref<1x2000xi32, #tpu.memory_space<hbm>> -> memref<2000xi32, #tpu.memory_space<hbm>>
      %dma_start3A_135 = tpu.memref_slice %arg4[%run_scoped3A_81, %add3A_80] : memref<2x320000xi32, #tpu.memory_space<hbm>> -> memref<1x2000xi32, #tpu.memory_space<hbm>>
      %dma_start3A_136 = tpu.memref_squeeze %dma_start3A_135 : memref<1x2000xi32, #tpu.memory_space<hbm>> -> memref<2000xi32, #tpu.memory_space<hbm>>
      tpu.enqueue_dma source(%dma_start3A_136 : memref<2000xi32, #tpu.memory_space<hbm>>) target(%arg9 : memref<2000xi32, #tpu.memory_space<vmem>>) target_semaphore(%run_scoped3A_132 : memref<!tpu.dma_semaphore, #tpu.memory_space<semaphore_mem>>)
      %dma_wait3A_137 = tpu.memref_slice %arg4[%run_scoped3A_81, %add3A_80] : memref<2x320000xi32, #tpu.memory_space<hbm>> -> memref<1x2000xi32, #tpu.memory_space<hbm>>
      %dma_wait3A_138 = tpu.memref_squeeze %dma_wait3A_137 : memref<1x2000xi32, #tpu.memory_space<hbm>> -> memref<2000xi32, #tpu.memory_space<hbm>>
      %dma_wait3A_139 = tpu.memref_slice %arg4[%run_scoped3A_81, %add3A_80] : memref<2x320000xi32, #tpu.memory_space<hbm>> -> memref<1x2000xi32, #tpu.memory_space<hbm>>
      %dma_wait3A_140 = tpu.memref_squeeze %dma_wait3A_139 : memref<1x2000xi32, #tpu.memory_space<hbm>> -> memref<2000xi32, #tpu.memory_space<hbm>>
      tpu.wait_dma2 semaphore(%run_scoped3A_132 : memref<!tpu.dma_semaphore, #tpu.memory_space<semaphore_mem>>) src(%dma_wait3A_140 : memref<2000xi32, #tpu.memory_space<hbm>>) dst(%arg9 : memref<2000xi32, #tpu.memory_space<vmem>>)
      tpu.yield
    }) : () -> ()
    %dma_start3A_82 = arith.constant 0 : i32
    %dma_start3A_83 = arith.constant 0 : i32
    %dma_start3A_84 = tpu.memref_slice %arg2[%dma_start3A_82, %dma_start3A_83] : memref<10000x5xf32, #tpu.memory_space<hbm>> -> memref<10000x5xf32, #tpu.memory_space<hbm>>
    tpu.enqueue_indirect_dma source(%dma_start3A_84 : memref<10000x5xf32, #tpu.memory_space<hbm>>) target(%arg11 : memref<2000x5xf32, #tpu.memory_space<vmem>>) offsets(%arg7 : memref<2000xi32, #tpu.memory_space<vmem>>) semaphore(%arg16 : memref<!tpu.dma_semaphore, #tpu.memory_space<semaphore_mem>>)
    %dma_start3A_85 = arith.constant 0 : i32
    %dma_start3A_86 = arith.constant 0 : i32
    %dma_start3A_87 = tpu.memref_slice %arg3[%dma_start3A_85, %dma_start3A_86] : memref<10000x5xf32, #tpu.memory_space<hbm>> -> memref<10000x5xf32, #tpu.memory_space<hbm>>
    tpu.enqueue_indirect_dma source(%dma_start3A_87 : memref<10000x5xf32, #tpu.memory_space<hbm>>) target(%arg13 : memref<2000x5xf32, #tpu.memory_space<vmem>>) offsets(%arg9 : memref<2000xi32, #tpu.memory_space<vmem>>) semaphore(%arg18 : memref<!tpu.dma_semaphore, #tpu.memory_space<semaphore_mem>>)
    %scan3A_88 = arith.constant 0 : i32
    %scan3A_89 = arith.constant 0 : i32
    %scan3A_90 = arith.constant 125 : i32
    %scan3A_91 = arith.addi %scan3A_89, %scan3A_90 : i32
    %scan3A_92 = arith.constant 1 : i32
    scf.for %scan3A_132 = %scan3A_89 to %scan3A_91 step %scan3A_92  : i32 {
      %mul3A_133 = arith.constant 16 : i32
      %mul3A_134 = arith.muli %scan3A_132, %mul3A_133 : i32
      %add3A_135 = vector.broadcast %mul3A_134 : i32 to vector<16xi32>
      %add3A_136 = arith.addi %add3A_135, %iota3A : vector<16xi32>
      %mul3A_137 = arith.constant 16 : i32
      %mul3A_138 = arith.muli %scan3A_132, %mul3A_137 : i32
      %get3A = arith.index_cast %mul3A_138 : i32 to index
      %get3A_139 = tpu.vector_load %arg8[%get3A] {strides = array<i32>} : memref<2000xi32, #tpu.memory_space<vmem>>, vector<16xi32>,
      %gather3A = tpu.vector_load_idx %arg10[%add3A_136, %broadcast_in_dim3A_3] : memref<2000x5xf32, #tpu.memory_space<vmem>>[vector<16xi32>, vector<16xi32>], vector<16xf32>,
      %gather3A_140 = tpu.vector_load_idx %arg12[%add3A_136, %broadcast_in_dim3A_3] : memref<2000x5xf32, #tpu.memory_space<vmem>>[vector<16xi32>, vector<16xi32>], vector<16xf32>,
      %add3A_141 = arith.addf %gather3A, %gather3A_140 : vector<16xf32>
      %gather3A_142 = tpu.vector_load_idx %arg10[%add3A_136, %broadcast_in_dim3A_5] : memref<2000x5xf32, #tpu.memory_space<vmem>>[vector<16xi32>, vector<16xi32>], vector<16xf32>,
      %gather3A_143 = tpu.vector_load_idx %arg12[%add3A_136, %broadcast_in_dim3A_5] : memref<2000x5xf32, #tpu.memory_space<vmem>>[vector<16xi32>, vector<16xi32>], vector<16xf32>,
      %add3A_144 = arith.addf %gather3A_142, %gather3A_143 : vector<16xf32>
      %gather3A_145 = tpu.vector_load_idx %arg10[%add3A_136, %broadcast_in_dim3A_7] : memref<2000x5xf32, #tpu.memory_space<vmem>>[vector<16xi32>, vector<16xi32>], vector<16xf32>,
      %gather3A_146 = tpu.vector_load_idx %arg12[%add3A_136, %broadcast_in_dim3A_7] : memref<2000x5xf32, #tpu.memory_space<vmem>>[vector<16xi32>, vector<16xi32>], vector<16xf32>,
      %add3A_147 = arith.addf %gather3A_145, %gather3A_146 : vector<16xf32>
      %gather3A_148 = tpu.vector_load_idx %arg10[%add3A_136, %broadcast_in_dim3A_9] : memref<2000x5xf32, #tpu.memory_space<vmem>>[vector<16xi32>, vector<16xi32>], vector<16xf32>,
      %gather3A_149 = tpu.vector_load_idx %arg12[%add3A_136, %broadcast_in_dim3A_9] : memref<2000x5xf32, #tpu.memory_space<vmem>>[vector<16xi32>, vector<16xi32>], vector<16xf32>,
      %add3A_150 = arith.addf %gather3A_148, %gather3A_149 : vector<16xf32>
      %gather3A_151 = tpu.vector_load_idx %arg10[%add3A_136, %broadcast_in_dim3A_11] : memref<2000x5xf32, #tpu.memory_space<vmem>>[vector<16xi32>, vector<16xi32>], vector<16xf32>,
      %gather3A_152 = tpu.vector_load_idx %arg12[%add3A_136, %broadcast_in_dim3A_11] : memref<2000x5xf32, #tpu.memory_space<vmem>>[vector<16xi32>, vector<16xi32>], vector<16xf32>,
      %add3A_153 = arith.addf %gather3A_151, %gather3A_152 : vector<16xf32>
      %ge3A = arith.constant 0.000000e+00 : f32
      %ge3A_154 = vector.broadcast %ge3A : f32 to vector<16xf32>
      %ge3A_155 = arith.cmpf oge, %add3A_141, %ge3A_154 : vector<16xf32>
      %mul3A_156 = arith.constant 0.00999999977 : f32
      %mul3A_157 = vector.broadcast %mul3A_156 : f32 to vector<16xf32>
      %mul3A_158 = arith.mulf %add3A_141, %mul3A_157 : vector<16xf32>
      %select_n3A = arith.select %ge3A_155, %add3A_141, %mul3A_158 : vector<16xi1>, vector<16xf32>
      %ge3A_159 = arith.constant 0.000000e+00 : f32
      %ge3A_160 = vector.broadcast %ge3A_159 : f32 to vector<16xf32>
      %ge3A_161 = arith.cmpf oge, %add3A_144, %ge3A_160 : vector<16xf32>
      %mul3A_162 = arith.constant 0.00999999977 : f32
      %mul3A_163 = vector.broadcast %mul3A_162 : f32 to vector<16xf32>
      %mul3A_164 = arith.mulf %add3A_144, %mul3A_163 : vector<16xf32>
      %select_n3A_165 = arith.select %ge3A_161, %add3A_144, %mul3A_164 : vector<16xi1>, vector<16xf32>
      %ge3A_166 = arith.constant 0.000000e+00 : f32
      %ge3A_167 = vector.broadcast %ge3A_166 : f32 to vector<16xf32>
      %ge3A_168 = arith.cmpf oge, %add3A_147, %ge3A_167 : vector<16xf32>
      %mul3A_169 = arith.constant 0.00999999977 : f32
      %mul3A_170 = vector.broadcast %mul3A_169 : f32 to vector<16xf32>
      %mul3A_171 = arith.mulf %add3A_147, %mul3A_170 : vector<16xf32>
      %select_n3A_172 = arith.select %ge3A_168, %add3A_147, %mul3A_171 : vector<16xi1>, vector<16xf32>
      %ge3A_173 = arith.constant 0.000000e+00 : f32
      %ge3A_174 = vector.broadcast %ge3A_173 : f32 to vector<16xf32>
      %ge3A_175 = arith.cmpf oge, %add3A_150, %ge3A_174 : vector<16xf32>
      %mul3A_176 = arith.constant 0.00999999977 : f32
      %mul3A_177 = vector.broadcast %mul3A_176 : f32 to vector<16xf32>
      %mul3A_178 = arith.mulf %add3A_150, %mul3A_177 : vector<16xf32>
      %select_n3A_179 = arith.select %ge3A_175, %add3A_150, %mul3A_178 : vector<16xi1>, vector<16xf32>
      %ge3A_180 = arith.constant 0.000000e+00 : f32
      %ge3A_181 = vector.broadcast %ge3A_180 : f32 to vector<16xf32>
      %ge3A_182 = arith.cmpf oge, %add3A_153, %ge3A_181 : vector<16xf32>
      %mul3A_183 = arith.constant 0.00999999977 : f32
      %mul3A_184 = vector.broadcast %mul3A_183 : f32 to vector<16xf32>
      %mul3A_185 = arith.mulf %add3A_153, %mul3A_184 : vector<16xf32>
      %select_n3A_186 = arith.select %ge3A_182, %add3A_153, %mul3A_185 : vector<16xi1>, vector<16xf32>
      %exp3A = math.exp %select_n3A : vector<16xf32>
      %exp3A_187 = math.exp %select_n3A_165 : vector<16xf32>
      %exp3A_188 = math.exp %select_n3A_172 : vector<16xf32>
      %exp3A_189 = math.exp %select_n3A_179 : vector<16xf32>
      %exp3A_190 = math.exp %select_n3A_186 : vector<16xf32>
      %add3A_191 = arith.addf %exp3A, %exp3A_187 : vector<16xf32>
      %add3A_192 = arith.addf %add3A_191, %exp3A_188 : vector<16xf32>
      %add3A_193 = arith.addf %add3A_192, %exp3A_189 : vector<16xf32>
      %add3A_194 = arith.addf %add3A_193, %exp3A_190 : vector<16xf32>
      %div3A = arith.constant 1.000000e+00 : f32
      %div3A_195 = vector.broadcast %div3A : f32 to vector<16xf32>
      %div3A_196 = arith.divf %div3A_195, %add3A_194 : vector<16xf32>
      %add3A_197 = arith.constant 0 : i32
      %add3A_198 = vector.broadcast %add3A_197 : i32 to vector<16xi32>
      %add3A_199 = arith.addi %get3A_139, %add3A_198 : vector<16xi32>
      %mul3A_200 = arith.mulf %exp3A, %div3A_196 : vector<16xf32>
      tpu.vector_store_idx %arg14[%add3A_199], %mul3A_200 {add = true} : memref<60672xf32, #tpu.memory_space<vmem>>[vector<16xi32>], vector<16xf32>,
      %add3A_201 = arith.constant 10112 : i32
      %add3A_202 = vector.broadcast %add3A_201 : i32 to vector<16xi32>
      %add3A_203 = arith.addi %get3A_139, %add3A_202 : vector<16xi32>
      %mul3A_204 = arith.mulf %exp3A_187, %div3A_196 : vector<16xf32>
      tpu.vector_store_idx %arg14[%add3A_203], %mul3A_204 {add = true} : memref<60672xf32, #tpu.memory_space<vmem>>[vector<16xi32>], vector<16xf32>,
      %add3A_205 = arith.constant 20224 : i32
      %add3A_206 = vector.broadcast %add3A_205 : i32 to vector<16xi32>
      %add3A_207 = arith.addi %get3A_139, %add3A_206 : vector<16xi32>
      %mul3A_208 = arith.mulf %exp3A_188, %div3A_196 : vector<16xf32>
      tpu.vector_store_idx %arg14[%add3A_207], %mul3A_208 {add = true} : memref<60672xf32, #tpu.memory_space<vmem>>[vector<16xi32>], vector<16xf32>,
      %add3A_209 = arith.constant 30336 : i32
      %add3A_210 = vector.broadcast %add3A_209 : i32 to vector<16xi32>
      %add3A_211 = arith.addi %get3A_139, %add3A_210 : vector<16xi32>
      %mul3A_212 = arith.mulf %exp3A_189, %div3A_196 : vector<16xf32>
      tpu.vector_store_idx %arg14[%add3A_211], %mul3A_212 {add = true} : memref<60672xf32, #tpu.memory_space<vmem>>[vector<16xi32>], vector<16xf32>,
      %add3A_213 = arith.constant 40448 : i32
      %add3A_214 = vector.broadcast %add3A_213 : i32 to vector<16xi32>
      %add3A_215 = arith.addi %get3A_139, %add3A_214 : vector<16xi32>
      %mul3A_216 = arith.mulf %exp3A_190, %div3A_196 : vector<16xf32>
      tpu.vector_store_idx %arg14[%add3A_215], %mul3A_216 {add = true} : memref<60672xf32, #tpu.memory_space<vmem>>[vector<16xi32>], vector<16xf32>,
      %add3A_217 = arith.constant 50560 : i32
      %add3A_218 = vector.broadcast %add3A_217 : i32 to vector<16xi32>
      %add3A_219 = arith.addi %get3A_139, %add3A_218 : vector<16xi32>
      tpu.vector_store_idx %arg14[%add3A_219], %broadcast_in_dim3A_13 {add = true} : memref<60672xf32, #tpu.memory_space<vmem>>[vector<16xi32>], vector<16xf32>,
    }
    %scan3A_93 = arith.constant 125 : i32
    %dma_wait3A_94 = arith.constant 0 : i32
    %dma_wait3A_95 = arith.constant 0 : i32
    %dma_wait3A_96 = tpu.memref_slice %arg2[%dma_wait3A_94, %dma_wait3A_95] : memref<10000x5xf32, #tpu.memory_space<hbm>> -> memref<10000x5xf32, #tpu.memory_space<hbm>>
    tpu.wait_indirect_dma semaphore(%arg16 : memref<!tpu.dma_semaphore, #tpu.memory_space<semaphore_mem>>) src(%dma_wait3A_96 : memref<10000x5xf32, #tpu.memory_space<hbm>>) dst(%arg11 : memref<2000x5xf32, #tpu.memory_space<vmem>>)
    %dma_wait3A_97 = arith.constant 0 : i32
    %dma_wait3A_98 = arith.constant 0 : i32
    %dma_wait3A_99 = tpu.memref_slice %arg3[%dma_wait3A_97, %dma_wait3A_98] : memref<10000x5xf32, #tpu.memory_space<hbm>> -> memref<10000x5xf32, #tpu.memory_space<hbm>>
    tpu.wait_indirect_dma semaphore(%arg18 : memref<!tpu.dma_semaphore, #tpu.memory_space<semaphore_mem>>) src(%dma_wait3A_99 : memref<10000x5xf32, #tpu.memory_space<hbm>>) dst(%arg13 : memref<2000x5xf32, #tpu.memory_space<vmem>>)
    %add3A_100 = arith.constant 8000 : i32
    %add3A_101 = arith.addi %mul3A_2, %add3A_100 : i32
    %run_scoped3A_102 = arith.constant 0 : i32
    "tpu.region"() ({
      %run_scoped3A_132 = tpu.sem_alloc : memref<!tpu.dma_semaphore, #tpu.memory_space<semaphore_mem>>
      %dma_start3A_133 = tpu.memref_slice %arg4[%run_scoped3A_102, %add3A_101] : memref<2x320000xi32, #tpu.memory_space<hbm>> -> memref<1x2000xi32, #tpu.memory_space<hbm>>
      %dma_start3A_134 = tpu.memref_squeeze %dma_start3A_133 : memref<1x2000xi32, #tpu.memory_space<hbm>> -> memref<2000xi32, #tpu.memory_space<hbm>>
      %dma_start3A_135 = tpu.memref_slice %arg4[%run_scoped3A_102, %add3A_101] : memref<2x320000xi32, #tpu.memory_space<hbm>> -> memref<1x2000xi32, #tpu.memory_space<hbm>>
      %dma_start3A_136 = tpu.memref_squeeze %dma_start3A_135 : memref<1x2000xi32, #tpu.memory_space<hbm>> -> memref<2000xi32, #tpu.memory_space<hbm>>
      tpu.enqueue_dma source(%dma_start3A_136 : memref<2000xi32, #tpu.memory_space<hbm>>) target(%arg7 : memref<2000xi32, #tpu.memory_space<vmem>>) target_semaphore(%run_scoped3A_132 : memref<!tpu.dma_semaphore, #tpu.memory_space<semaphore_mem>>)
      %dma_wait3A_137 = tpu.memref_slice %arg4[%run_scoped3A_102, %add3A_101] : memref<2x320000xi32, #tpu.memory_space<hbm>> -> memref<1x2000xi32, #tpu.memory_space<hbm>>
      %dma_wait3A_138 = tpu.memref_squeeze %dma_wait3A_137 : memref<1x2000xi32, #tpu.memory_space<hbm>> -> memref<2000xi32, #tpu.memory_space<hbm>>
      %dma_wait3A_139 = tpu.memref_slice %arg4[%run_scoped3A_102, %add3A_101] : memref<2x320000xi32, #tpu.memory_space<hbm>> -> memref<1x2000xi32, #tpu.memory_space<hbm>>
      %dma_wait3A_140 = tpu.memref_squeeze %dma_wait3A_139 : memref<1x2000xi32, #tpu.memory_space<hbm>> -> memref<2000xi32, #tpu.memory_space<hbm>>
      tpu.wait_dma2 semaphore(%run_scoped3A_132 : memref<!tpu.dma_semaphore, #tpu.memory_space<semaphore_mem>>) src(%dma_wait3A_140 : memref<2000xi32, #tpu.memory_space<hbm>>) dst(%arg7 : memref<2000xi32, #tpu.memory_space<vmem>>)
      tpu.yield
    }) : () -> ()
    %add3A_103 = arith.constant 8000 : i32
    %add3A_104 = arith.addi %mul3A_2, %add3A_103 : i32
    %run_scoped3A_105 = arith.constant 1 : i32
    "tpu.region"() ({
      %run_scoped3A_132 = tpu.sem_alloc : memref<!tpu.dma_semaphore, #tpu.memory_space<semaphore_mem>>
      %dma_start3A_133 = tpu.memref_slice %arg4[%run_scoped3A_105, %add3A_104] : memref<2x320000xi32, #tpu.memory_space<hbm>> -> memref<1x2000xi32, #tpu.memory_space<hbm>>
      %dma_start3A_134 = tpu.memref_squeeze %dma_start3A_133 : memref<1x2000xi32, #tpu.memory_space<hbm>> -> memref<2000xi32, #tpu.memory_space<hbm>>
      %dma_start3A_135 = tpu.memref_slice %arg4[%run_scoped3A_105, %add3A_104] : memref<2x320000xi32, #tpu.memory_space<hbm>> -> memref<1x2000xi32, #tpu.memory_space<hbm>>
      %dma_start3A_136 = tpu.memref_squeeze %dma_start3A_135 : memref<1x2000xi32, #tpu.memory_space<hbm>> -> memref<2000xi32, #tpu.memory_space<hbm>>
      tpu.enqueue_dma source(%dma_start3A_136 : memref<2000xi32, #tpu.memory_space<hbm>>) target(%arg8 : memref<2000xi32, #tpu.memory_space<vmem>>) target_semaphore(%run_scoped3A_132 : memref<!tpu.dma_semaphore, #tpu.memory_space<semaphore_mem>>)
      %dma_wait3A_137 = tpu.memref_slice %arg4[%run_scoped3A_105, %add3A_104] : memref<2x320000xi32, #tpu.memory_space<hbm>> -> memref<1x2000xi32, #tpu.memory_space<hbm>>
      %dma_wait3A_138 = tpu.memref_squeeze %dma_wait3A_137 : memref<1x2000xi32, #tpu.memory_space<hbm>> -> memref<2000xi32, #tpu.memory_space<hbm>>
      %dma_wait3A_139 = tpu.memref_slice %arg4[%run_scoped3A_105, %add3A_104] : memref<2x320000xi32, #tpu.memory_space<hbm>> -> memref<1x2000xi32, #tpu.memory_space<hbm>>
      %dma_wait3A_140 = tpu.memref_squeeze %dma_wait3A_139 : memref<1x2000xi32, #tpu.memory_space<hbm>> -> memref<2000xi32, #tpu.memory_space<hbm>>
      tpu.wait_dma2 semaphore(%run_scoped3A_132 : memref<!tpu.dma_semaphore, #tpu.memory_space<semaphore_mem>>) src(%dma_wait3A_140 : memref<2000xi32, #tpu.memory_space<hbm>>) dst(%arg8 : memref<2000xi32, #tpu.memory_space<vmem>>)
      tpu.yield
    }) : () -> ()
    %dma_start3A_106 = arith.constant 0 : i32
    %dma_start3A_107 = arith.constant 0 : i32
    %dma_start3A_108 = tpu.memref_slice %arg2[%dma_start3A_106, %dma_start3A_107] : memref<10000x5xf32, #tpu.memory_space<hbm>> -> memref<10000x5xf32, #tpu.memory_space<hbm>>
    tpu.enqueue_indirect_dma source(%dma_start3A_108 : memref<10000x5xf32, #tpu.memory_space<hbm>>) target(%arg10 : memref<2000x5xf32, #tpu.memory_space<vmem>>) offsets(%arg7 : memref<2000xi32, #tpu.memory_space<vmem>>) semaphore(%arg15 : memref<!tpu.dma_semaphore, #tpu.memory_space<semaphore_mem>>)
    %dma_start3A_109 = arith.constant 0 : i32
    %dma_start3A_110 = arith.constant 0 : i32
    %dma_start3A_111 = tpu.memref_slice %arg3[%dma_start3A_109, %dma_start3A_110] : memref<10000x5xf32, #tpu.memory_space<hbm>> -> memref<10000x5xf32, #tpu.memory_space<hbm>>
    tpu.enqueue_indirect_dma source(%dma_start3A_111 : memref<10000x5xf32, #tpu.memory_space<hbm>>) target(%arg12 : memref<2000x5xf32, #tpu.memory_space<vmem>>) offsets(%arg8 : memref<2000xi32, #tpu.memory_space<vmem>>) semaphore(%arg17 : memref<!tpu.dma_semaphore, #tpu.memory_space<semaphore_mem>>)
    %scan3A_112 = arith.constant 0 : i32
    %scan3A_113 = arith.constant 0 : i32
    %scan3A_114 = arith.constant 125 : i32
    %scan3A_115 = arith.addi %scan3A_113, %scan3A_114 : i32
    %scan3A_116 = arith.constant 1 : i32
    scf.for %scan3A_132 = %scan3A_113 to %scan3A_115 step %scan3A_116  : i32 {
      %mul3A_133 = arith.constant 16 : i32
      %mul3A_134 = arith.muli %scan3A_132, %mul3A_133 : i32
      %add3A_135 = vector.broadcast %mul3A_134 : i32 to vector<16xi32>
      %add3A_136 = arith.addi %add3A_135, %iota3A : vector<16xi32>
      %mul3A_137 = arith.constant 16 : i32
      %mul3A_138 = arith.muli %scan3A_132, %mul3A_137 : i32
      %get3A = arith.index_cast %mul3A_138 : i32 to index
      %get3A_139 = tpu.vector_load %arg9[%get3A] {strides = array<i32>} : memref<2000xi32, #tpu.memory_space<vmem>>, vector<16xi32>,
      %gather3A = tpu.vector_load_idx %arg11[%add3A_136, %broadcast_in_dim3A_3] : memref<2000x5xf32, #tpu.memory_space<vmem>>[vector<16xi32>, vector<16xi32>], vector<16xf32>,
      %gather3A_140 = tpu.vector_load_idx %arg13[%add3A_136, %broadcast_in_dim3A_3] : memref<2000x5xf32, #tpu.memory_space<vmem>>[vector<16xi32>, vector<16xi32>], vector<16xf32>,
      %add3A_141 = arith.addf %gather3A, %gather3A_140 : vector<16xf32>
      %gather3A_142 = tpu.vector_load_idx %arg11[%add3A_136, %broadcast_in_dim3A_5] : memref<2000x5xf32, #tpu.memory_space<vmem>>[vector<16xi32>, vector<16xi32>], vector<16xf32>,
      %gather3A_143 = tpu.vector_load_idx %arg13[%add3A_136, %broadcast_in_dim3A_5] : memref<2000x5xf32, #tpu.memory_space<vmem>>[vector<16xi32>, vector<16xi32>], vector<16xf32>,
      %add3A_144 = arith.addf %gather3A_142, %gather3A_143 : vector<16xf32>
      %gather3A_145 = tpu.vector_load_idx %arg11[%add3A_136, %broadcast_in_dim3A_7] : memref<2000x5xf32, #tpu.memory_space<vmem>>[vector<16xi32>, vector<16xi32>], vector<16xf32>,
      %gather3A_146 = tpu.vector_load_idx %arg13[%add3A_136, %broadcast_in_dim3A_7] : memref<2000x5xf32, #tpu.memory_space<vmem>>[vector<16xi32>, vector<16xi32>], vector<16xf32>,
      %add3A_147 = arith.addf %gather3A_145, %gather3A_146 : vector<16xf32>
      %gather3A_148 = tpu.vector_load_idx %arg11[%add3A_136, %broadcast_in_dim3A_9] : memref<2000x5xf32, #tpu.memory_space<vmem>>[vector<16xi32>, vector<16xi32>], vector<16xf32>,
      %gather3A_149 = tpu.vector_load_idx %arg13[%add3A_136, %broadcast_in_dim3A_9] : memref<2000x5xf32, #tpu.memory_space<vmem>>[vector<16xi32>, vector<16xi32>], vector<16xf32>,
      %add3A_150 = arith.addf %gather3A_148, %gather3A_149 : vector<16xf32>
      %gather3A_151 = tpu.vector_load_idx %arg11[%add3A_136, %broadcast_in_dim3A_11] : memref<2000x5xf32, #tpu.memory_space<vmem>>[vector<16xi32>, vector<16xi32>], vector<16xf32>,
      %gather3A_152 = tpu.vector_load_idx %arg13[%add3A_136, %broadcast_in_dim3A_11] : memref<2000x5xf32, #tpu.memory_space<vmem>>[vector<16xi32>, vector<16xi32>], vector<16xf32>,
      %add3A_153 = arith.addf %gather3A_151, %gather3A_152 : vector<16xf32>
      %ge3A = arith.constant 0.000000e+00 : f32
      %ge3A_154 = vector.broadcast %ge3A : f32 to vector<16xf32>
      %ge3A_155 = arith.cmpf oge, %add3A_141, %ge3A_154 : vector<16xf32>
      %mul3A_156 = arith.constant 0.00999999977 : f32
      %mul3A_157 = vector.broadcast %mul3A_156 : f32 to vector<16xf32>
      %mul3A_158 = arith.mulf %add3A_141, %mul3A_157 : vector<16xf32>
      %select_n3A = arith.select %ge3A_155, %add3A_141, %mul3A_158 : vector<16xi1>, vector<16xf32>
      %ge3A_159 = arith.constant 0.000000e+00 : f32
      %ge3A_160 = vector.broadcast %ge3A_159 : f32 to vector<16xf32>
      %ge3A_161 = arith.cmpf oge, %add3A_144, %ge3A_160 : vector<16xf32>
      %mul3A_162 = arith.constant 0.00999999977 : f32
      %mul3A_163 = vector.broadcast %mul3A_162 : f32 to vector<16xf32>
      %mul3A_164 = arith.mulf %add3A_144, %mul3A_163 : vector<16xf32>
      %select_n3A_165 = arith.select %ge3A_161, %add3A_144, %mul3A_164 : vector<16xi1>, vector<16xf32>
      %ge3A_166 = arith.constant 0.000000e+00 : f32
      %ge3A_167 = vector.broadcast %ge3A_166 : f32 to vector<16xf32>
      %ge3A_168 = arith.cmpf oge, %add3A_147, %ge3A_167 : vector<16xf32>
      %mul3A_169 = arith.constant 0.00999999977 : f32
      %mul3A_170 = vector.broadcast %mul3A_169 : f32 to vector<16xf32>
      %mul3A_171 = arith.mulf %add3A_147, %mul3A_170 : vector<16xf32>
      %select_n3A_172 = arith.select %ge3A_168, %add3A_147, %mul3A_171 : vector<16xi1>, vector<16xf32>
      %ge3A_173 = arith.constant 0.000000e+00 : f32
      %ge3A_174 = vector.broadcast %ge3A_173 : f32 to vector<16xf32>
      %ge3A_175 = arith.cmpf oge, %add3A_150, %ge3A_174 : vector<16xf32>
      %mul3A_176 = arith.constant 0.00999999977 : f32
      %mul3A_177 = vector.broadcast %mul3A_176 : f32 to vector<16xf32>
      %mul3A_178 = arith.mulf %add3A_150, %mul3A_177 : vector<16xf32>
      %select_n3A_179 = arith.select %ge3A_175, %add3A_150, %mul3A_178 : vector<16xi1>, vector<16xf32>
      %ge3A_180 = arith.constant 0.000000e+00 : f32
      %ge3A_181 = vector.broadcast %ge3A_180 : f32 to vector<16xf32>
      %ge3A_182 = arith.cmpf oge, %add3A_153, %ge3A_181 : vector<16xf32>
      %mul3A_183 = arith.constant 0.00999999977 : f32
      %mul3A_184 = vector.broadcast %mul3A_183 : f32 to vector<16xf32>
      %mul3A_185 = arith.mulf %add3A_153, %mul3A_184 : vector<16xf32>
      %select_n3A_186 = arith.select %ge3A_182, %add3A_153, %mul3A_185 : vector<16xi1>, vector<16xf32>
      %exp3A = math.exp %select_n3A : vector<16xf32>
      %exp3A_187 = math.exp %select_n3A_165 : vector<16xf32>
      %exp3A_188 = math.exp %select_n3A_172 : vector<16xf32>
      %exp3A_189 = math.exp %select_n3A_179 : vector<16xf32>
      %exp3A_190 = math.exp %select_n3A_186 : vector<16xf32>
      %add3A_191 = arith.addf %exp3A, %exp3A_187 : vector<16xf32>
      %add3A_192 = arith.addf %add3A_191, %exp3A_188 : vector<16xf32>
      %add3A_193 = arith.addf %add3A_192, %exp3A_189 : vector<16xf32>
      %add3A_194 = arith.addf %add3A_193, %exp3A_190 : vector<16xf32>
      %div3A = arith.constant 1.000000e+00 : f32
      %div3A_195 = vector.broadcast %div3A : f32 to vector<16xf32>
      %div3A_196 = arith.divf %div3A_195, %add3A_194 : vector<16xf32>
      %add3A_197 = arith.constant 0 : i32
      %add3A_198 = vector.broadcast %add3A_197 : i32 to vector<16xi32>
      %add3A_199 = arith.addi %get3A_139, %add3A_198 : vector<16xi32>
      %mul3A_200 = arith.mulf %exp3A, %div3A_196 : vector<16xf32>
      tpu.vector_store_idx %arg14[%add3A_199], %mul3A_200 {add = true} : memref<60672xf32, #tpu.memory_space<vmem>>[vector<16xi32>], vector<16xf32>,
      %add3A_201 = arith.constant 10112 : i32
      %add3A_202 = vector.broadcast %add3A_201 : i32 to vector<16xi32>
      %add3A_203 = arith.addi %get3A_139, %add3A_202 : vector<16xi32>
      %mul3A_204 = arith.mulf %exp3A_187, %div3A_196 : vector<16xf32>
      tpu.vector_store_idx %arg14[%add3A_203], %mul3A_204 {add = true} : memref<60672xf32, #tpu.memory_space<vmem>>[vector<16xi32>], vector<16xf32>,
      %add3A_205 = arith.constant 20224 : i32
      %add3A_206 = vector.broadcast %add3A_205 : i32 to vector<16xi32>
      %add3A_207 = arith.addi %get3A_139, %add3A_206 : vector<16xi32>
      %mul3A_208 = arith.mulf %exp3A_188, %div3A_196 : vector<16xf32>
      tpu.vector_store_idx %arg14[%add3A_207], %mul3A_208 {add = true} : memref<60672xf32, #tpu.memory_space<vmem>>[vector<16xi32>], vector<16xf32>,
      %add3A_209 = arith.constant 30336 : i32
      %add3A_210 = vector.broadcast %add3A_209 : i32 to vector<16xi32>
      %add3A_211 = arith.addi %get3A_139, %add3A_210 : vector<16xi32>
      %mul3A_212 = arith.mulf %exp3A_189, %div3A_196 : vector<16xf32>
      tpu.vector_store_idx %arg14[%add3A_211], %mul3A_212 {add = true} : memref<60672xf32, #tpu.memory_space<vmem>>[vector<16xi32>], vector<16xf32>,
      %add3A_213 = arith.constant 40448 : i32
      %add3A_214 = vector.broadcast %add3A_213 : i32 to vector<16xi32>
      %add3A_215 = arith.addi %get3A_139, %add3A_214 : vector<16xi32>
      %mul3A_216 = arith.mulf %exp3A_190, %div3A_196 : vector<16xf32>
      tpu.vector_store_idx %arg14[%add3A_215], %mul3A_216 {add = true} : memref<60672xf32, #tpu.memory_space<vmem>>[vector<16xi32>], vector<16xf32>,
      %add3A_217 = arith.constant 50560 : i32
      %add3A_218 = vector.broadcast %add3A_217 : i32 to vector<16xi32>
      %add3A_219 = arith.addi %get3A_139, %add3A_218 : vector<16xi32>
      tpu.vector_store_idx %arg14[%add3A_219], %broadcast_in_dim3A_13 {add = true} : memref<60672xf32, #tpu.memory_space<vmem>>[vector<16xi32>], vector<16xf32>,
    }
    %scan3A_117 = arith.constant 125 : i32
    %dma_wait3A_118 = arith.constant 0 : i32
    %dma_wait3A_119 = arith.constant 0 : i32
    %dma_wait3A_120 = tpu.memref_slice %arg2[%dma_wait3A_118, %dma_wait3A_119] : memref<10000x5xf32, #tpu.memory_space<hbm>> -> memref<10000x5xf32, #tpu.memory_space<hbm>>
    tpu.wait_indirect_dma semaphore(%arg15 : memref<!tpu.dma_semaphore, #tpu.memory_space<semaphore_mem>>) src(%dma_wait3A_120 : memref<10000x5xf32, #tpu.memory_space<hbm>>) dst(%arg10 : memref<2000x5xf32, #tpu.memory_space<vmem>>)
    %dma_wait3A_121 = arith.constant 0 : i32
    %dma_wait3A_122 = arith.constant 0 : i32
    %dma_wait3A_123 = tpu.memref_slice %arg3[%dma_wait3A_121, %dma_wait3A_122] : memref<10000x5xf32, #tpu.memory_space<hbm>> -> memref<10000x5xf32, #tpu.memory_space<hbm>>
    tpu.wait_indirect_dma semaphore(%arg17 : memref<!tpu.dma_semaphore, #tpu.memory_space<semaphore_mem>>) src(%dma_wait3A_123 : memref<10000x5xf32, #tpu.memory_space<hbm>>) dst(%arg12 : memref<2000x5xf32, #tpu.memory_space<vmem>>)
    %scan3A_124 = arith.constant 0 : i32
    %scan3A_125 = arith.constant 0 : i32
    %scan3A_126 = arith.constant 125 : i32
    %scan3A_127 = arith.addi %scan3A_125, %scan3A_126 : i32
    %scan3A_128 = arith.constant 1 : i32
    scf.for %scan3A_132 = %scan3A_125 to %scan3A_127 step %scan3A_128  : i32 {
      %mul3A_133 = arith.constant 16 : i32
      %mul3A_134 = arith.muli %scan3A_132, %mul3A_133 : i32
      %add3A_135 = vector.broadcast %mul3A_134 : i32 to vector<16xi32>
      %add3A_136 = arith.addi %add3A_135, %iota3A : vector<16xi32>
      %mul3A_137 = arith.constant 16 : i32
      %mul3A_138 = arith.muli %scan3A_132, %mul3A_137 : i32
      %get3A = arith.index_cast %mul3A_138 : i32 to index
      %get3A_139 = tpu.vector_load %arg8[%get3A] {strides = array<i32>} : memref<2000xi32, #tpu.memory_space<vmem>>, vector<16xi32>,
      %gather3A = tpu.vector_load_idx %arg10[%add3A_136, %broadcast_in_dim3A_3] : memref<2000x5xf32, #tpu.memory_space<vmem>>[vector<16xi32>, vector<16xi32>], vector<16xf32>,
      %gather3A_140 = tpu.vector_load_idx %arg12[%add3A_136, %broadcast_in_dim3A_3] : memref<2000x5xf32, #tpu.memory_space<vmem>>[vector<16xi32>, vector<16xi32>], vector<16xf32>,
      %add3A_141 = arith.addf %gather3A, %gather3A_140 : vector<16xf32>
      %gather3A_142 = tpu.vector_load_idx %arg10[%add3A_136, %broadcast_in_dim3A_5] : memref<2000x5xf32, #tpu.memory_space<vmem>>[vector<16xi32>, vector<16xi32>], vector<16xf32>,
      %gather3A_143 = tpu.vector_load_idx %arg12[%add3A_136, %broadcast_in_dim3A_5] : memref<2000x5xf32, #tpu.memory_space<vmem>>[vector<16xi32>, vector<16xi32>], vector<16xf32>,
      %add3A_144 = arith.addf %gather3A_142, %gather3A_143 : vector<16xf32>
      %gather3A_145 = tpu.vector_load_idx %arg10[%add3A_136, %broadcast_in_dim3A_7] : memref<2000x5xf32, #tpu.memory_space<vmem>>[vector<16xi32>, vector<16xi32>], vector<16xf32>,
      %gather3A_146 = tpu.vector_load_idx %arg12[%add3A_136, %broadcast_in_dim3A_7] : memref<2000x5xf32, #tpu.memory_space<vmem>>[vector<16xi32>, vector<16xi32>], vector<16xf32>,
      %add3A_147 = arith.addf %gather3A_145, %gather3A_146 : vector<16xf32>
      %gather3A_148 = tpu.vector_load_idx %arg10[%add3A_136, %broadcast_in_dim3A_9] : memref<2000x5xf32, #tpu.memory_space<vmem>>[vector<16xi32>, vector<16xi32>], vector<16xf32>,
      %gather3A_149 = tpu.vector_load_idx %arg12[%add3A_136, %broadcast_in_dim3A_9] : memref<2000x5xf32, #tpu.memory_space<vmem>>[vector<16xi32>, vector<16xi32>], vector<16xf32>,
      %add3A_150 = arith.addf %gather3A_148, %gather3A_149 : vector<16xf32>
      %gather3A_151 = tpu.vector_load_idx %arg10[%add3A_136, %broadcast_in_dim3A_11] : memref<2000x5xf32, #tpu.memory_space<vmem>>[vector<16xi32>, vector<16xi32>], vector<16xf32>,
      %gather3A_152 = tpu.vector_load_idx %arg12[%add3A_136, %broadcast_in_dim3A_11] : memref<2000x5xf32, #tpu.memory_space<vmem>>[vector<16xi32>, vector<16xi32>], vector<16xf32>,
      %add3A_153 = arith.addf %gather3A_151, %gather3A_152 : vector<16xf32>
      %ge3A = arith.constant 0.000000e+00 : f32
      %ge3A_154 = vector.broadcast %ge3A : f32 to vector<16xf32>
      %ge3A_155 = arith.cmpf oge, %add3A_141, %ge3A_154 : vector<16xf32>
      %mul3A_156 = arith.constant 0.00999999977 : f32
      %mul3A_157 = vector.broadcast %mul3A_156 : f32 to vector<16xf32>
      %mul3A_158 = arith.mulf %add3A_141, %mul3A_157 : vector<16xf32>
      %select_n3A = arith.select %ge3A_155, %add3A_141, %mul3A_158 : vector<16xi1>, vector<16xf32>
      %ge3A_159 = arith.constant 0.000000e+00 : f32
      %ge3A_160 = vector.broadcast %ge3A_159 : f32 to vector<16xf32>
      %ge3A_161 = arith.cmpf oge, %add3A_144, %ge3A_160 : vector<16xf32>
      %mul3A_162 = arith.constant 0.00999999977 : f32
      %mul3A_163 = vector.broadcast %mul3A_162 : f32 to vector<16xf32>
      %mul3A_164 = arith.mulf %add3A_144, %mul3A_163 : vector<16xf32>
      %select_n3A_165 = arith.select %ge3A_161, %add3A_144, %mul3A_164 : vector<16xi1>, vector<16xf32>
      %ge3A_166 = arith.constant 0.000000e+00 : f32
      %ge3A_167 = vector.broadcast %ge3A_166 : f32 to vector<16xf32>
      %ge3A_168 = arith.cmpf oge, %add3A_147, %ge3A_167 : vector<16xf32>
      %mul3A_169 = arith.constant 0.00999999977 : f32
      %mul3A_170 = vector.broadcast %mul3A_169 : f32 to vector<16xf32>
      %mul3A_171 = arith.mulf %add3A_147, %mul3A_170 : vector<16xf32>
      %select_n3A_172 = arith.select %ge3A_168, %add3A_147, %mul3A_171 : vector<16xi1>, vector<16xf32>
      %ge3A_173 = arith.constant 0.000000e+00 : f32
      %ge3A_174 = vector.broadcast %ge3A_173 : f32 to vector<16xf32>
      %ge3A_175 = arith.cmpf oge, %add3A_150, %ge3A_174 : vector<16xf32>
      %mul3A_176 = arith.constant 0.00999999977 : f32
      %mul3A_177 = vector.broadcast %mul3A_176 : f32 to vector<16xf32>
      %mul3A_178 = arith.mulf %add3A_150, %mul3A_177 : vector<16xf32>
      %select_n3A_179 = arith.select %ge3A_175, %add3A_150, %mul3A_178 : vector<16xi1>, vector<16xf32>
      %ge3A_180 = arith.constant 0.000000e+00 : f32
      %ge3A_181 = vector.broadcast %ge3A_180 : f32 to vector<16xf32>
      %ge3A_182 = arith.cmpf oge, %add3A_153, %ge3A_181 : vector<16xf32>
      %mul3A_183 = arith.constant 0.00999999977 : f32
      %mul3A_184 = vector.broadcast %mul3A_183 : f32 to vector<16xf32>
      %mul3A_185 = arith.mulf %add3A_153, %mul3A_184 : vector<16xf32>
      %select_n3A_186 = arith.select %ge3A_182, %add3A_153, %mul3A_185 : vector<16xi1>, vector<16xf32>
      %exp3A = math.exp %select_n3A : vector<16xf32>
      %exp3A_187 = math.exp %select_n3A_165 : vector<16xf32>
      %exp3A_188 = math.exp %select_n3A_172 : vector<16xf32>
      %exp3A_189 = math.exp %select_n3A_179 : vector<16xf32>
      %exp3A_190 = math.exp %select_n3A_186 : vector<16xf32>
      %add3A_191 = arith.addf %exp3A, %exp3A_187 : vector<16xf32>
      %add3A_192 = arith.addf %add3A_191, %exp3A_188 : vector<16xf32>
      %add3A_193 = arith.addf %add3A_192, %exp3A_189 : vector<16xf32>
      %add3A_194 = arith.addf %add3A_193, %exp3A_190 : vector<16xf32>
      %div3A = arith.constant 1.000000e+00 : f32
      %div3A_195 = vector.broadcast %div3A : f32 to vector<16xf32>
      %div3A_196 = arith.divf %div3A_195, %add3A_194 : vector<16xf32>
      %add3A_197 = arith.constant 0 : i32
      %add3A_198 = vector.broadcast %add3A_197 : i32 to vector<16xi32>
      %add3A_199 = arith.addi %get3A_139, %add3A_198 : vector<16xi32>
      %mul3A_200 = arith.mulf %exp3A, %div3A_196 : vector<16xf32>
      tpu.vector_store_idx %arg14[%add3A_199], %mul3A_200 {add = true} : memref<60672xf32, #tpu.memory_space<vmem>>[vector<16xi32>], vector<16xf32>,
      %add3A_201 = arith.constant 10112 : i32
      %add3A_202 = vector.broadcast %add3A_201 : i32 to vector<16xi32>
      %add3A_203 = arith.addi %get3A_139, %add3A_202 : vector<16xi32>
      %mul3A_204 = arith.mulf %exp3A_187, %div3A_196 : vector<16xf32>
      tpu.vector_store_idx %arg14[%add3A_203], %mul3A_204 {add = true} : memref<60672xf32, #tpu.memory_space<vmem>>[vector<16xi32>], vector<16xf32>,
      %add3A_205 = arith.constant 20224 : i32
      %add3A_206 = vector.broadcast %add3A_205 : i32 to vector<16xi32>
      %add3A_207 = arith.addi %get3A_139, %add3A_206 : vector<16xi32>
      %mul3A_208 = arith.mulf %exp3A_188, %div3A_196 : vector<16xf32>
      tpu.vector_store_idx %arg14[%add3A_207], %mul3A_208 {add = true} : memref<60672xf32, #tpu.memory_space<vmem>>[vector<16xi32>], vector<16xf32>,
      %add3A_209 = arith.constant 30336 : i32
      %add3A_210 = vector.broadcast %add3A_209 : i32 to vector<16xi32>
      %add3A_211 = arith.addi %get3A_139, %add3A_210 : vector<16xi32>
      %mul3A_212 = arith.mulf %exp3A_189, %div3A_196 : vector<16xf32>
      tpu.vector_store_idx %arg14[%add3A_211], %mul3A_212 {add = true} : memref<60672xf32, #tpu.memory_space<vmem>>[vector<16xi32>], vector<16xf32>,
      %add3A_213 = arith.constant 40448 : i32
      %add3A_214 = vector.broadcast %add3A_213 : i32 to vector<16xi32>
      %add3A_215 = arith.addi %get3A_139, %add3A_214 : vector<16xi32>
      %mul3A_216 = arith.mulf %exp3A_190, %div3A_196 : vector<16xf32>
      tpu.vector_store_idx %arg14[%add3A_215], %mul3A_216 {add = true} : memref<60672xf32, #tpu.memory_space<vmem>>[vector<16xi32>], vector<16xf32>,
      %add3A_217 = arith.constant 50560 : i32
      %add3A_218 = vector.broadcast %add3A_217 : i32 to vector<16xi32>
      %add3A_219 = arith.addi %get3A_139, %add3A_218 : vector<16xi32>
      tpu.vector_store_idx %arg14[%add3A_219], %broadcast_in_dim3A_13 {add = true} : memref<60672xf32, #tpu.memory_space<vmem>>[vector<16xi32>], vector<16xf32>,
    }
    %scan3A_129 = arith.constant 125 : i32
    %mul3A_130 = arith.constant 61440 : i32
    %mul3A_131 = arith.muli %add3A, %mul3A_130 : i32
    "tpu.region"() ({
      %run_scoped3A_132 = tpu.sem_alloc : memref<!tpu.dma_semaphore, #tpu.memory_space<semaphore_mem>>
      %dma_start3A_133 = tpu.memref_slice %arg6[%mul3A_131] : memref<1966080xf32, #tpu.memory_space<hbm>> -> memref<60672xf32, #tpu.memory_space<hbm>>
      %dma_start3A_134 = tpu.memref_slice %arg6[%mul3A_131] : memref<1966080xf32, #tpu.memory_space<hbm>> -> memref<60672xf32, #tpu.memory_space<hbm>>
      tpu.enqueue_dma source(%arg14 : memref<60672xf32, #tpu.memory_space<vmem>>) target(%dma_start3A_134 : memref<60672xf32, #tpu.memory_space<hbm>>) target_semaphore(%run_scoped3A_132 : memref<!tpu.dma_semaphore, #tpu.memory_space<semaphore_mem>>)
      %dma_wait3A_135 = tpu.memref_slice %arg6[%mul3A_131] : memref<1966080xf32, #tpu.memory_space<hbm>> -> memref<60672xf32, #tpu.memory_space<hbm>>
      %dma_wait3A_136 = tpu.memref_slice %arg6[%mul3A_131] : memref<1966080xf32, #tpu.memory_space<hbm>> -> memref<60672xf32, #tpu.memory_space<hbm>>
      tpu.wait_dma2 semaphore(%run_scoped3A_132 : memref<!tpu.dma_semaphore, #tpu.memory_space<semaphore_mem>>) src(%arg14 : memref<60672xf32, #tpu.memory_space<vmem>>) dst(%dma_wait3A_136 : memref<60672xf32, #tpu.memory_space<hbm>>)
      tpu.yield
    }) : () -> ()
    return
  }
}

module attributes {stable_mosaic.version = 14 : i64} {
  func.func @_proj_body(%arg0: memref<10000x128xf32, #tpu.memory_space<vmem>>, %arg1: memref<128x5xf32, #tpu.memory_space<vmem>>, %arg2: memref<128x5xf32, #tpu.memory_space<vmem>>, %arg3: memref<1x5xf32, #tpu.memory_space<vmem>>, %arg4: memref<10000x5xf32, #tpu.memory_space<vmem>>, %arg5: memref<10000x5xf32, #tpu.memory_space<vmem>>) attributes {dimension_semantics = [], scalar_prefetch = 0 : i64, scratch_operands = 0 : i64, tpu.core_type = #tpu.core_type<tc>} {
    %get3A = arith.constant 0 : index
    %get3A_0 = arith.constant 0 : index
    %get3A_1 = vector.load %arg0[%get3A, %get3A_0] : memref<10000x128xf32, #tpu.memory_space<vmem>>, vector<10000x128xf32>
    %get3A_2 = arith.constant 0 : index
    %get3A_3 = arith.constant 0 : index
    %get3A_4 = vector.load %arg1[%get3A_2, %get3A_3] : memref<128x5xf32, #tpu.memory_space<vmem>>, vector<128x5xf32>
    %dot_general3A = arith.constant dense<0.000000e+00> : vector<10000x5xf32>
    %dot_general3A_5 = tpu.matmul %get3A_1, %get3A_4, %dot_general3A {dimension_numbers = #tpu.dot_dimension_numbers<[1], [0], [0], [1], [0, 0, 1, 1], [], []>, transpose_lhs_hint = false} : vector<10000x128xf32>, vector<128x5xf32>, vector<10000x5xf32> -> vector<10000x5xf32>
    %get3A_6 = arith.constant 0 : index
    %get3A_7 = arith.constant 0 : index
    %get3A_8 = vector.load %arg3[%get3A_6, %get3A_7] : memref<1x5xf32, #tpu.memory_space<vmem>>, vector<1x5xf32>
    %add3A = vector.broadcast %get3A_8 : vector<1x5xf32> to vector<10000x5xf32>
    %add3A_9 = arith.addf %dot_general3A_5, %add3A : vector<10000x5xf32>
    %swap3A = arith.constant 0 : index
    %swap3A_10 = arith.constant 0 : index
    %swap3A_11 = vector.load %arg4[%swap3A, %swap3A_10] : memref<10000x5xf32, #tpu.memory_space<vmem>>, vector<10000x5xf32>
    tpu.vector_store %arg4[%swap3A, %swap3A_10], %add3A_9 {strides = array<i32>} : memref<10000x5xf32, #tpu.memory_space<vmem>>, vector<10000x5xf32>,
    %get3A_12 = arith.constant 0 : index
    %get3A_13 = arith.constant 0 : index
    %get3A_14 = vector.load %arg2[%get3A_12, %get3A_13] : memref<128x5xf32, #tpu.memory_space<vmem>>, vector<128x5xf32>
    %dot_general3A_15 = arith.constant dense<0.000000e+00> : vector<10000x5xf32>
    %dot_general3A_16 = tpu.matmul %get3A_1, %get3A_14, %dot_general3A_15 {dimension_numbers = #tpu.dot_dimension_numbers<[1], [0], [0], [1], [0, 0, 1, 1], [], []>, transpose_lhs_hint = false} : vector<10000x128xf32>, vector<128x5xf32>, vector<10000x5xf32> -> vector<10000x5xf32>
    %swap3A_17 = arith.constant 0 : index
    %swap3A_18 = arith.constant 0 : index
    %swap3A_19 = vector.load %arg5[%swap3A_17, %swap3A_18] : memref<10000x5xf32, #tpu.memory_space<vmem>>, vector<10000x5xf32>
    tpu.vector_store %arg5[%swap3A_17, %swap3A_18], %dot_general3A_16 {strides = array<i32>} : memref<10000x5xf32, #tpu.memory_space<vmem>>, vector<10000x5xf32>,
    return
  }
}

module attributes {stable_mosaic.version = 14 : i64} {
  func.func @_sum_body(%arg0: i32, %arg1: memref<245760xf32, #tpu.memory_space<vmem>>, %arg2: memref<61440xf32, #tpu.memory_space<vmem>>) attributes {dimension_semantics = [#tpu.dimension_semantics<arbitrary>], iteration_bounds = array<i64: 8>, scalar_prefetch = 0 : i64, scratch_operands = 0 : i64, tpu.core_type = #tpu.core_type<tc>, window_params = [{transform_indices = @transform_0, window_bounds = array<i64: 245760>}, {pipeline_mode = #tpu.pipeline_mode<synchronous>, transform_indices = @transform_1, window_bounds = array<i64: 61440>}]} {
    %get3A = arith.constant 0 : index
    %get3A_0 = vector.load %arg1[%get3A] : memref<245760xf32, #tpu.memory_space<vmem>>, vector<61440xf32>
    %get3A_1 = arith.constant 61440 : index
    %get3A_2 = vector.load %arg1[%get3A_1] : memref<245760xf32, #tpu.memory_space<vmem>>, vector<61440xf32>
    %add3A = arith.addf %get3A_0, %get3A_2 : vector<61440xf32>
    %get3A_3 = arith.constant 122880 : index
    %get3A_4 = vector.load %arg1[%get3A_3] : memref<245760xf32, #tpu.memory_space<vmem>>, vector<61440xf32>
    %get3A_5 = arith.constant 184320 : index
    %get3A_6 = vector.load %arg1[%get3A_5] : memref<245760xf32, #tpu.memory_space<vmem>>, vector<61440xf32>
    %add3A_7 = arith.addf %get3A_4, %get3A_6 : vector<61440xf32>
    %add3A_8 = arith.addf %add3A, %add3A_7 : vector<61440xf32>
    %eq3A = arith.constant 0 : i32
    %eq3A_9 = arith.cmpi eq, %arg0, %eq3A : i32
    %convert_element_type3A = arith.extui %eq3A_9 : i1 to i32
    %cond3A = arith.constant 0 : i32
    %cond3A_10 = arith.cmpi ne, %convert_element_type3A, %cond3A : i32
    scf.if %cond3A_10 {
      %swap3A = arith.constant 0 : index
      %swap3A_15 = vector.load %arg2[%swap3A] : memref<61440xf32, #tpu.memory_space<vmem>>, vector<61440xf32>
      tpu.vector_store %arg2[%swap3A], %add3A_8 {strides = array<i32>} : memref<61440xf32, #tpu.memory_space<vmem>>, vector<61440xf32>,
    } else {
    }
    %ne3A = arith.constant 0 : i32
    %ne3A_11 = arith.cmpi ne, %arg0, %ne3A : i32
    %convert_element_type3A_12 = arith.extui %ne3A_11 : i1 to i32
    %cond3A_13 = arith.constant 0 : i32
    %cond3A_14 = arith.cmpi ne, %convert_element_type3A_12, %cond3A_13 : i32
    scf.if %cond3A_14 {
      %get3A_15 = arith.constant 0 : index
      %get3A_16 = vector.load %arg2[%get3A_15] : memref<61440xf32, #tpu.memory_space<vmem>>, vector<61440xf32>
      %add3A_17 = arith.addf %get3A_16, %add3A_8 : vector<61440xf32>
      %swap3A = arith.constant 0 : index
      %swap3A_18 = vector.load %arg2[%swap3A] : memref<61440xf32, #tpu.memory_space<vmem>>, vector<61440xf32>
      tpu.vector_store %arg2[%swap3A], %add3A_17 {strides = array<i32>} : memref<61440xf32, #tpu.memory_space<vmem>>, vector<61440xf32>,
    } else {
    }
    return
  }
  func.func @transform_0(%arg0: i32) -> i32 {
    %c0_i32 = arith.constant 0 : i32
    return %arg0 : i32
  }
  func.func @transform_1(%arg0: i32) -> i32 {
    %c0_i32 = arith.constant 0 : i32
    %c0_i32_0 = arith.constant 0 : i32
    return %c0_i32 : i32
  }
}

module attributes {stable_mosaic.version = 14 : i64} {
  func.func @_final_body(%arg0: memref<10000x128xf32, #tpu.memory_space<vmem>>, %arg1: memref<6x10112xf32, #tpu.memory_space<vmem>>, %arg2: memref<6x128xf32, #tpu.memory_space<vmem>>, %arg3: memref<10000x128xf32, #tpu.memory_space<vmem>>) attributes {dimension_semantics = [], scalar_prefetch = 0 : i64, scratch_operands = 0 : i64, tpu.core_type = #tpu.core_type<tc>} {
    %get3A = arith.constant 0 : index
    %get3A_0 = arith.constant 0 : index
    %get3A_1 = vector.load %arg1[%get3A, %get3A_0] : memref<6x10112xf32, #tpu.memory_space<vmem>>, vector<6x10112xf32>
    %slice3A = vector.extract_strided_slice %get3A_1 {offsets = [0, 0], sizes = [6, 10000], strides = [1, 1]} : vector<6x10112xf32> to vector<6x10000xf32>
    %slice3A_2 = vector.extract_strided_slice %slice3A {offsets = [5, 0], sizes = [1, 10000], strides = [1, 1]} : vector<6x10000xf32> to vector<1x10000xf32>
    %max3A = arith.constant 1.000000e+00 : f32
    %max3A_3 = vector.broadcast %max3A : f32 to vector<1x10000xf32>
    %max3A_4 = arith.maximumf %slice3A_2, %max3A_3 : vector<1x10000xf32>
    %div3A = arith.constant 1.000000e+00 : f32
    %div3A_5 = vector.broadcast %div3A : f32 to vector<1x10000xf32>
    %div3A_6 = arith.divf %div3A_5, %max3A_4 : vector<1x10000xf32>
    %mul3A = vector.broadcast %div3A_6 : vector<1x10000xf32> to vector<6x10000xf32>
    %mul3A_7 = arith.mulf %slice3A, %mul3A : vector<6x10000xf32>
    %get3A_8 = arith.constant 0 : index
    %get3A_9 = arith.constant 0 : index
    %get3A_10 = vector.load %arg0[%get3A_8, %get3A_9] : memref<10000x128xf32, #tpu.memory_space<vmem>>, vector<10000x128xf32>
    %get3A_11 = arith.constant 0 : index
    %get3A_12 = arith.constant 0 : index
    %get3A_13 = vector.load %arg2[%get3A_11, %get3A_12] : memref<6x128xf32, #tpu.memory_space<vmem>>, vector<6x128xf32>
    %dot_general3A = arith.constant dense<0.000000e+00> : vector<10000x128xf32>
    %dot_general3A_14 = tpu.matmul %mul3A_7, %get3A_13, %dot_general3A {dimension_numbers = #tpu.dot_dimension_numbers<[0], [0], [1], [1], [0, 1, 1, 1], [], []>, transpose_lhs_hint = false} : vector<6x10000xf32>, vector<6x128xf32>, vector<10000x128xf32> -> vector<10000x128xf32>
    %add3A = arith.addf %get3A_10, %dot_general3A_14 : vector<10000x128xf32>
    %swap3A = arith.constant 0 : index
    %swap3A_15 = arith.constant 0 : index
    %swap3A_16 = vector.load %arg3[%swap3A, %swap3A_15] : memref<10000x128xf32, #tpu.memory_space<vmem>>, vector<10000x128xf32>
    tpu.vector_store %arg3[%swap3A, %swap3A_15], %add3A {strides = array<i32>} : memref<10000x128xf32, #tpu.memory_space<vmem>>, vector<10000x128xf32>,
    return
  }
}

</mosaic_0001>

<sc_bundles>
// kernel: kernel.6.cloned.1.call-start
scs
__scs_entry_jumppad:
0x0: {  	(pc) =	sbr.rel $0x88, $3  }
0x1: {  	(tag) =	ssettag $0x0;
	lr =	simm.s32 $0x1  }
0x2: {  	[smem:$0x3F9C] =	sst lr;
	_ =	strace $0xD0000000  }
0x3: {  	_ = 	snop  }
0x4: {  	_ = 	snop  }
0x5: {  	_ = 	snop  }
0x6: {  	_ = 	snop  }
0x7: {  	_ = 	snop  }
__scs_overlays_trampoline_lowered:
0x8: {  	[smem:$0x3FAB] =	sst s0  }
0x9: {  	[smem:$0x3FAC] =	sst s1  }
0xa: {  	[smem:$0x3FAD] =	sst s2  }
0xb: {  	[smem:$0x3FAE] =	sst s3  }
0xc: {  	[smem:$0x3FAF] =	sst s4  }
0xd: {  	[smem:$0x3FB0] =	sst s5  }
0xe: {  	[smem:$0x3FB1] =	sst s6  }
0xf: {  	[smem:$0x3FB2] =	sst s7  }
0x10: {  	[smem:$0x3FB3] =	sst s8  }
0x11: {  	[smem:$0x3FB4] =	sst s9;
	s0 =	simm.s32 @!p0 $0x0  }
0x12: {  	s1 =	sld [smem:$0x3F9A];
	s0 =	simm.s32 @p0 $0x1  }
0x13: {  	[smem:$0x3FB5] =	sst s0;
	s0 =	simm.s32 @!p1 $0x0  }
0x14: {  	s2 =	sld [smem:$0x3F99];
	s0 =	simm.s32 @p1 $0x1  }
0x15: {  	[smem:$0x3FB6] =	sst s0;
	s0 =	simm.s32 @!p2 $0x0  }
0x16: {  	s3 =	sld [smem:$0x3FDB];
	s0 =	simm.s32 @p2 $0x1  }
0x17: {  	s4 =	simm.s32 $0x1BF5;
	[smem:$0x3FB8] =	sst s0  }
0x18: {  	s0 =	sld [smem:$0x3F9B];
	_ =	swait.ge [sflag:s4], $0x0  }
0x19: {  	s7 =	sld [smem:$0x3F9C]  }
0x1a: {  	s8 =	sadd.s32 $0xFFFFE003, lr  }
0x1b: {  	s9 =	sadd.s32 $0xFFFFFEF7, lr;
	s5 =	simm.s32 $0xFFFFFFFF;
	p2 =	slt.u32 s8, $0xFFFFF086  }
0x1c: {  	p1 =	slt.u32 s9, $0xF7A;
	s5 =	simm.s32 @!p2 $0x0  }
0x1d: {  	s5 =	simm.s32 @p1 $0x1;
	p0 =	seq.s32 s7, s2  }
0x1e: {  	s7 =	smul.u32 @!p0 $0xF7A, s2;
	p2 =	seq.s32 @!p0 s5, $0x0  }
0x1f: {  	s9 =	smul.u32 $0xF7A, s1;
	s8 =	simm.s32 @!p0 $0x1BF5;
	p2 =	por !p2, p0  }
0x20: {  	[sflag:s8] =	ssyncset.s32 @!p0 $0xFFFFF086;
	s6 =	sadd.s32 @!p0 s3, s7;
	s7 =	simm.s32 @!p0 $0x108  }
0x21: {  	s3 =	sadd.s32 s3, s9;
	s6 =	sadd.s32 @!p0 $0x88, s6;
	s7 =	simm.s32 @p2 $0x1082  }
0x22: {  	[simem:s7], [sflag:s8] =	dma.local @!p0 [hbm:s6], $0xF7A  }
0x23: {  	s9 =	sor.u32 $0xD0000000, s2;
	s6 =	simm.s32 $0x108;
	_ =	swait.ge @!p0 [sflag:s8], $0x0  }
0x24: {  	s3 =	sadd.s32 $0x88, s3;
	s6 =	simm.s32 @!p1 $0x1082;
	[sflag:s4] =	ssyncset.s32 $0xFFFFF086  }
0x25: {  	[simem:s6], [sflag:s4] =	dma.local [hbm:s3], $0xF7A  }
0x26: {  	[smem:$0x3F9C] =	sst s1;
	(tag) =	ssettag s2;
	_ =	strace s9  }
0x27: {  	s1 =	sld [smem:$0x3FAC]  }
0x28: {  	s2 =	sld [smem:$0x3FAD]  }
0x29: {  	s4 =	sld [smem:$0x3FAF]  }
0x2a: {  	p0 =	seq.s32 s5, $0x0;
	s5 =	sld [smem:$0x3FB0]  }
0x2b: {  	s6 =	sld [smem:$0x3FB1]  }
0x2c: {  	s7 =	sld [smem:$0x3FB2]  }
0x2d: {  	s3 =	simm.s32 $0x108;
	s8 =	sld [smem:$0x3FB3]  }
0x2e: {  	s3 =	simm.s32 @!p0 $0x1082;
	s9 =	sld [smem:$0x3FB4]  }
0x2f: {  	lr =	sadd.s32 s0, s3;
	s0 =	sld [smem:$0x3FAB]  }
0x30: {  	s3 =	sld [smem:$0x3FAE]  }
0x31: {  	[smem:$0x3FB7] =	sst s10  }
0x32: {  	s10 =	sld [smem:$0x3FB5];
	_ =	sdelay $0x3  }
0x33: {  	p0 =	seq.s32 s10, $0x1;
	s10 =	sld [smem:$0x3FB7];
	_ =	sdelay $0x3  }
0x34: {  	[smem:$0x3FB7] =	sst s10  }
0x35: {  	s10 =	sld [smem:$0x3FB6];
	_ =	sdelay $0x3  }
0x36: {  	p1 =	seq.s32 s10, $0x1;
	s10 =	sld [smem:$0x3FB7];
	_ =	sdelay $0x3  }
0x37: {  	[smem:$0x3FB7] =	sst s10  }
0x38: {  	s10 =	sld [smem:$0x3FB8]  }
0x39: {  	_ = 	snop;
	(pc) =	sbr.ind lr, $3  }
0x3a: {  	_ = 	snop  }
0x3b: {  	_ = 	snop  }
0x3c: {  	p2 =	seq.s32 s10, $0x1;
	s10 =	sld [smem:$0x3FB7]  }
0x3d: {  	_ =	shalt  }
0x3e: {  	_ =	shalt  }
0x3f: {  	_ =	shalt  }
0x40: {  	_ =	shalt  }
0x41: {  	_ =	shalt  }
0x42: {  	_ =	shalt  }
0x43: {  	_ =	shalt  }
0x44: {  	_ =	shalt  }
0x45: {  	_ =	shalt  }
0x46: {  	_ =	shalt  }
0x47: {  	_ =	shalt  }
0x48: {  	_ =	shalt  }
0x49: {  	_ =	shalt  }
0x4a: {  	_ =	shalt  }
0x4b: {  	_ =	shalt  }
0x4c: {  	_ =	shalt  }
0x4d: {  	_ =	shalt  }
0x4e: {  	_ =	shalt  }
0x4f: {  	_ =	shalt  }
0x50: {  	_ =	shalt  }
0x51: {  	_ =	shalt  }
0x52: {  	_ =	shalt  }
0x53: {  	_ =	shalt  }
0x54: {  	_ =	shalt  }
0x55: {  	_ =	shalt  }
0x56: {  	_ =	shalt  }
0x57: {  	_ =	shalt  }
0x58: {  	_ =	shalt  }
0x59: {  	_ =	shalt  }
0x5a: {  	_ =	shalt  }
0x5b: {  	_ =	shalt  }
0x5c: {  	_ =	shalt  }
0x5d: {  	_ =	shalt  }
0x5e: {  	_ =	shalt  }
0x5f: {  	_ =	shalt  }
0x60: {  	_ =	shalt  }
0x61: {  	_ =	shalt  }
0x62: {  	_ =	shalt  }
0x63: {  	_ =	shalt  }
0x64: {  	_ =	shalt  }
0x65: {  	_ =	shalt  }
0x66: {  	_ =	shalt  }
0x67: {  	_ =	shalt  }
0x68: {  	_ =	shalt  }
0x69: {  	_ =	shalt  }
0x6a: {  	_ =	shalt  }
0x6b: {  	_ =	shalt  }
0x6c: {  	_ =	shalt  }
0x6d: {  	_ =	shalt  }
0x6e: {  	_ =	shalt  }
0x6f: {  	_ =	shalt  }
0x70: {  	_ =	shalt  }
0x71: {  	_ =	shalt  }
0x72: {  	_ =	shalt  }
0x73: {  	_ =	shalt  }
0x74: {  	_ =	shalt  }
0x75: {  	_ =	shalt  }
0x76: {  	_ =	shalt  }
0x77: {  	_ =	shalt  }
0x78: {  	_ =	shalt  }
0x79: {  	_ =	shalt  }
0x7a: {  	_ =	shalt  }
0x7b: {  	_ =	shalt  }
0x7c: {  	_ =	shalt  }
0x7d: {  	_ =	shalt  }
0x7e: {  	_ =	shalt  }
0x7f: {  	_ =	shalt  }
0x80: {  	_ =	shalt  }
0x81: {  	_ =	shalt  }
0x82: {  	_ =	shalt  }
0x83: {  	_ =	shalt  }
0x84: {  	_ =	shalt  }
0x85: {  	_ =	shalt  }
0x86: {  	_ =	shalt  }
0x87: {  	_ =	shalt  }
.Lfunc_end0:
.L_simem_size_0:
called_computation_lowered:
.L_overlay_start_0:
0x88: {  	s2 =	sld [smem:$0x3FD9]  }
0x89: {  	s3 =	sld [smem:$0x3FFE];
	_ =	sdelay $0x1  }
0x8a: {  	s1 =	srdreg.scid  }
0x8b: {  	s0 =	sand.u32 $0x1, s1  }
0x8c: {  	s17 =	sshll.u32 s0, $0xA;
	s2 =	sadd.s32 s3, s2  }
0x8d: {  	s2 =	sadd.s32 s2, s17  }
0x8e: {  	[smem:$0x3FC3] =	sst s2  }
0x8f: {  	_ = 	snop  }
0x90: {  	s2 =	sld [smem:$0x3FD0];
	(tm) =	ssettm $0x1  }
0x91: {  	s18 =	sld [smem:$0x3FFB];
	_ =	sdelay $0x3  }
0x92: {  	_ =	strace s18  }
0x93: {  	s3 =	sld [smem:$0x3FFC];
	_ =	sdelay $0x3  }
0x94: {  	_ =	strace s3  }
0x95: {  	s3 =	sld [smem:$0x3FFD];
	_ =	sdelay $0x3  }
0x96: {  	_ =	strace s3  }
0x97: {  	_ =	strace $0x8FFFFFFF  }
0x98: {  	s19 =	sld [smem:$0x3FDB];
	_ =	sdelay $0x1  }
0x99: {  	s4 =	simm.s32 $_scs_section_size  }
0x9a: {  	s5 =	simm.s32 $_size__tile_overlayer_lowered;
	s6 =	simm.s32 $_tile_overlayer_lowered  }
0x9b: {  	s22 =	simm.s32 $0x1BFF;
	s21 =	sshll.u32 s6, $0x1;
	s3 =	sadd.s32 s4, s19  }
0x9c: {  	s7 =	simm.s32 $0x0;
	s20 =	sshll.u32 s5, $0x1;
	s5 =	sadd.s32 s21, s3  }
0x9d: {  	[timem:s7], [sflag:s22] =	dma.local [hbm:s5], s20  }
0x9e: {  	_ =	swait.ge [sflag:s22], s20  }
0x9f: {  	s4 =	ssub.s32 $0x0, s20;
	[sflag:s22] =	ssyncset.done $0x0  }
0xa0: {  	[sflag:s22] =	ssyncadd.s32 s4;
	_ =	sdelay $0x1  }
0xa1: {  	s23 =	simm.s32 $0x1B8B  }
0xa2: {  	_ =	swait.ge [sflag:s23], $0x1  }
0xa3: {  	[sflag:s23] =	ssyncset.done $0x0  }
0xa4: {  	s25 =	simm.s32 $0x1B8E;
	s24 =	sld [smem:$0x3FFE];
	[sflag:s23] =	ssyncadd.s32 $0xFFFFFFFF  }
0xa5: {  	s26 =	simm.s32 $execute0_lowered;
	[smem:$0x3FD2] =	sst s25  }
0xa6: {  	s5 =	sshll.u32 s26, $0x1;
	_ =	strace $0x80000046;
	[dreg:$0x1] =	wrdreg $0xFFFFFFFF  }
0xa7: {  	s28 =	simm.s32 $_size_execute0_lowered;
	s3 =	sadd.s32 s3, s5;
	[dreg:$0x0] =	wrdreg $0x0  }
0xa8: {  	s5 =	sshll.u32 s28, $0x1;
	[dreg:$0x2] =	wrdreg s3  }
0xa9: {  	[dreg:$0x3] =	wrdreg s5  }
0xaa: {  	[dreg:$0x4] =	wrdreg $0xC0  }
0xab: {  	_ =	task [dreg:s7], $0x5FFFF  }
0xac: {  	[dreg:$0x1] =	wrdreg $0xFFFFFFFF  }
0xad: {  	[dreg:$0x0] =	wrdreg $0x60  }
0xae: {  	[dreg:$0x2] =	wrdreg s24  }
0xaf: {  	[dreg:$0x3] =	wrdreg s2  }
0xb0: {  	[dreg:$0x4] =	wrdreg $0x9  }
0xb1: {  	_ =	task.clear_ibuf [dreg:s7], $0x5FFFF;
	_ =	strace $0x90000046  }
0xb2: {  	s29 =	simm.s32 $0x9;
	_ =	strace $0x80000048  }
0xb3: {  	_ =	swait.ge [sflag:s29], $0x1  }
0xb4: {  	[sflag:s29] =	ssyncadd.s32 $0xFFFFFFFF  }
0xb5: {  	_ =	strace $0x90000048  }
0xb6: {  	_ =	sfence  }
0xb7: {  	s30 =	sld [smem:$0x0];
	_ =	sdelay $0x2  }
0xb8: {  	s31 =	sshll.u32 s1, $0xD;
	s1 =	sshrl.u32 s1, $0x2  }
0xb9: {  	s3 =	sand.u32 $0x4000, s31;
	s1 =	sadd.s32 s1, s30  }
0xba: {  	s0 =	sor.u32 s3, s0;
	s1 =	sshll.u32 s1, $0x11  }
0xbb: {  	s0 =	sor.u32 s1, s0  }
0xbc: {  	s0 =	sadd.s32 $0x8F2B, s0  }
0xbd: {  	[sflag:s0] =	ssyncadd.remote.s32 $0x1  }
0xbe: {  	_ =	sfence.sel $0xFFFF  }
0xbf: {  	[dreg:$0x0] =	wrdreg $0xFFFFFFFF;
	(pc) =	sbr.abs _section_cstart, $3  }
0xc0: {  	[dreg:$0x1] =	wrdreg $0xFFFFFFFF  }
0xc1: {  	_ =	task.clear_ibuf [dreg:s7], $0x2FFFF;
	_ =	strace $0x9FFFFFFF  }
0xc2: {  	(tm) =	ssettm $0x7FFFFFFF  }
0xc3: {  	_ =	shalt  }
tec
execute0_lowered:
.L_overlay_start_1:
0x0: {  	(tag) =	ssettag $0x1  }
0x1: {  	s0 =	rddreg [dreg:$0x0]  }
0x2: {  	s1 =	rddreg [dreg:$0x1]  }
0x3: {  	s3 =	srdreg.scid;
	s4 =	stileid.u32  }
0x4: {  	s2 =	simm.s32 $0x0;
	s18 =	simm.s32 $0x5;
	s19 =	simm.s32 $0x1770  }
0x5: {  	s20 =	simm.s32 $0x9470;
	s21 =	simm.s32 $0x11170;
	s22 =	simm.s32 $0x1  }
0x6: {  	s23 =	simm.s32 $0x3;
	s24 =	simm.s32 $0xFA0;
	s28 =	simm.s32 $0x2  }
0x7: {  	s29 =	simm.s32 $0x4;
	s30 =	simm.s32 $0x7D0;
	s31 =	simm.s32 $0x0  }
0x8: {  	s5 =	sand.u32 $0x1, s3;
	s25 =	sshll.u32 s4, $0x1;
	[smem:$0x7FF] =	sst s2  }
0x9: {  	s3 =	sadd.s32 $0x4200, s0;
	s4 =	sadd.s32 $0x1A00, s0;
	s6 =	sor.u32 s5, s25  }
0xa: {  	s8 =	sadd.s32 $0x6A00, s0;
	s5 =	ssub.s32 $0x2, s5;
	s7 =	smul.u32 $0x2710, s6  }
0xb: {  	_ =	strace $0x80000047;
	s6 =	smul.u32 $0x1E00, s6;
	s26 =	sshrl.u32 s5, $0x1  }
0xc: {  	[dreg:$0x3] =	wrdreg s8;
	s25 =	simm.s32 $0x55F0;
	s5 =	ssub.s32 s5, s26  }
0xd: {  	s26 =	simm.s32 $0xD2F0;
	s7 =	sshrl.u32 s7, $0x3;
	s0 =	sadd.s32 s6, s0  }
0xe: {  	s17 =	smax.u32 s5, $0x1;
	s6 =	sadd.s32 s1, s7;
	s16 =	sadd.s32 $0x8800, s0  }
0xf: {  	s7 =	sadd.s32 $0x9C40, s6;
	s8 =	sadd.s32 $0xFA, s6;
	s9 =	sadd.s32 $0x9D3A, s6  }
0x10: {  	v0 =	vlaneseq.u32;
	s10 =	sadd.s32 $0x1F4, s6;
	s11 =	sadd.s32 $0x9E34, s6;
	s12 =	sadd.s32 $0x2EE, s6  }
0x11: {  	v1 =	vimm.f32 $1.000000000e+00;
	v0 =	vmul.u32 $0x8, v0;
	s13 =	sadd.s32 $0x9F2E, s6;
	s14 =	sadd.s32 $0x3E8, s6;
	s15 =	sadd.s32 $0xA028, s6  }
.LBB2_1:
0x12: {  	[tilespmem:s2], [sflag:$0x5] =	stream.linear.gather [hbm4b:s6+s2], $0x7D0, $0x38;
	[tilespmem:$0x1FE70] =	vst v63  }
0x13: {  	_ =	swait.ge [sflag:s18], $0x7D0  }
0x14: {  	[sflag:s18] =	ssyncset.done $0x0  }
0x15: {  	[sflag:s18] =	ssyncadd.s32 $0xFFFFF830  }
0x16: {  	[tilespmem:s30], [sflag:$0x5] =	stream.linear.gather [hbm4b:s7+s2], $0x7D0, $0x38;
	[tilespmem:$0x1FE70] =	vst v63  }
0x17: {  	_ =	swait.ge [sflag:s18], $0x7D0  }
0x18: {  	[sflag:s18] =	ssyncset.done $0x0  }
0x19: {  	[sflag:s18] =	ssyncadd.s32 $0xFFFFF830  }
0x1a: {  	[tilespmem:s19], [sflag:$0x1] =	stream.indirect.gather [hbm4b:s3+s30], $0x5, s2, s30, $0xb8;
	[tilespmem:$0x1FE70] =	vst v63  }
0x1b: {  	_ = 	snop  }
0x1c: {  	[tilespmem:s20], [sflag:$0x3] =	stream.indirect.gather [hbm4b:s4+s30], $0x5, s30, s30, $0xb8;
	[tilespmem:$0x1FE70] =	vst v63  }
0x1d: {  	s0 =	rddreg [dreg:$0x3]  }
0x1e: {  	[tilespmem:s21], [sflag:$0x5] =	stream.linear.gather [hbm4b:s0+s2], $0xED00, $0x38;
	[tilespmem:$0x1FE70] =	vst v63  }
0x1f: {  	_ =	swait.ge [sflag:s18], $0xED00  }
0x20: {  	[sflag:s18] =	ssyncset.done $0x0  }
0x21: {  	[sflag:s18] =	ssyncadd.s32 $0xFFFF1300  }
0x22: {  	_ =	swait.ge [sflag:s22], $0x2710  }
0x23: {  	[sflag:s22] =	ssyncset.done $0x0  }
0x24: {  	[sflag:s22] =	ssyncadd.s32 $0xFFFFD8F0  }
0x25: {  	_ =	swait.ge [sflag:s23], $0x2710  }
0x26: {  	[sflag:s23] =	ssyncset.done $0x0  }
0x27: {  	[sflag:s23] =	ssyncadd.s32 $0xFFFFD8F0  }
0x28: {  	[tilespmem:s2], [sflag:$0x5] =	stream.linear.gather [hbm4b:s8+s2], $0x7D0, $0x38;
	[tilespmem:$0x1FE70] =	vst v63  }
0x29: {  	_ =	swait.ge [sflag:s18], $0x7D0  }
0x2a: {  	[sflag:s18] =	ssyncset.done $0x0  }
0x2b: {  	[sflag:s18] =	ssyncadd.s32 $0xFFFFF830  }
0x2c: {  	v2 =	vmov s2;
	[tilespmem:s24], [sflag:$0x5] =	stream.linear.gather [hbm4b:s9+s2], $0x7D0, $0x38;
	[tilespmem:$0x1FE70] =	vst v63  }
0x2d: {  	v2 =	vshll.u32 v2, $0x3;
	_ =	swait.ge [sflag:s18], $0x7D0  }
0x2e: {  	v2 =	vor.u32 v0, v2;
	[sflag:s18] =	ssyncset.done $0x0  }
0x2f: {  	[sflag:s18] =	ssyncadd.s32 $0xFFFFF830  }
0x30: {  	v3 =	vor.u32 $0x1, v2;
	[tilespmem:s25], [sflag:$0x2] =	stream.indirect.gather [hbm4b:s3+s30], $0x5, s2, s30, $0xb8;
	[tilespmem:$0x1FE70] =	vst v63  }
0x31: {  	_ = 	snop  }
0x32: {  	v4 =	vor.u32 $0x2, v2;
	[tilespmem:s26], [sflag:$0x4] =	stream.indirect.gather [hbm4b:s4+s30], $0x5, s24, s30, $0xb8;
	[tilespmem:$0x1FE70] =	vst v63  }
0x33: {  	v5 =	vld.idx.msk [tilespmem:v2+s19+$0x0], $0xffff  }
0x34: {  	v7 =	vor.u32 $0x3, v2;
	v6 =	vld.idx.msk [tilespmem:v2+s20+$0x0], $0xffff  }
0x35: {  	v8 =	vld.idx.msk [tilespmem:v3+s19+$0x0], $0xffff  }
0x36: {  	v3 =	vld.idx.msk [tilespmem:v3+s20+$0x0], $0xffff;
	v2 =	vor.u32 $0x4, v2  }
0x37: {  	v9 =	vld.idx.msk [tilespmem:v4+s19+$0x0], $0xffff  }
0x38: {  	v4 =	vld.idx.msk [tilespmem:v4+s20+$0x0], $0xffff  }
0x39: {  	v10 =	vld.idx.msk [tilespmem:v7+s19+$0x0], $0xffff  }
0x3a: {  	v5 =	vadd.f32 v6, v5;
	v6 =	vld.idx.msk [tilespmem:v7+s20+$0x0], $0xffff  }
0x3b: {  	v7 =	vld.idx.msk [tilespmem:v2+s19+$0x0], $0xffff  }
0x3c: {  	v3 =	vadd.f32 v3, v8;
	v2 =	vld.idx.msk [tilespmem:v2+s20+$0x0], $0xffff;
	v8 =	vmul.f32 $9.999999770e-03, v5  }
0x3d: {  	vm0 =	vge.f32 v5, $0.0e+00  }
0x3e: {  	v4 =	vadd.f32 v4, v9;
	v5 =	vsel vm0, v5, v8;
	v8 =	vmul.f32 $9.999999770e-03, v3  }
0x3f: {  	vm12 =	vge.f32 v3, $0.0e+00;
	v5 =	vmul.f32 $1.442695020e+00, v5  }
0x40: {  	v6 =	vadd.f32 v6, v10;
	v3 =	vsel vm12, v3, v8;
	v8 =	vmul.f32 $9.999999770e-03, v4  }
0x41: {  	vm13 =	vge.f32 v4, $0.0e+00;
	v2 =	vadd.f32 v2, v7;
	v3 =	vmul.f32 $1.442695020e+00, v3  }
0x42: {  	(erf) = vpow2.f32 v5;
	v5 =	vmul.f32 $9.999999770e-03, v6;
	v4 =	vsel vm13, v4, v8  }
0x43: {  	vm14 =	vge.f32 v6, $0.0e+00;
	v4 =	vmul.f32 $1.442695020e+00, v4;
	(erf) = vpow2.f32 v3  }
0x44: {  	v3 =	vsel vm14, v6, v5;
	v5 =	vmul.f32 $9.999999770e-03, v2  }
0x45: {  	vm15 =	vge.f32 v2, $0.0e+00;
	v3 =	vmul.f32 $1.442695020e+00, v3;
	(erf) = vpow2.f32 v4  }
0x46: {  	v2 =	vsel vm15, v2, v5  }
0x47: {  	v2 =	vmul.f32 $1.442695020e+00, v2;
	(erf) = vpow2.f32 v3;
	_ =	sdelay $0x1  }
0x48: {  	(erf) = vpow2.f32 v2;
	_ =	sdelay $0x1  }
0x49: {  	v2 =	vpop (erf)  }
0x4a: {  	v7 =	vpop (erf)  }
0x4b: {  	v3 =	vadd.f32 v7, v2  }
0x4c: {  	v8 =	vpop (erf)  }
0x4d: {  	v3 =	vadd.f32 v8, v3  }
0x4e: {  	v9 =	vpop (erf)  }
0x4f: {  	v3 =	vadd.f32 v9, v3  }
0x50: {  	v11 =	vpop (erf)  }
0x51: {  	v3 =	vadd.f32 v11, v3;
	_ =	sdelay $0x1  }
0x52: {  	(erf) = vrcp.f32 v3;
	_ =	sdelay $0x3  }
0x53: {  	v12 =	vld [tilespmem:s30+$0x0];
	_ =	sdelay $0x2  }
0x54: {  	s5 =	simm.s32 $0x10  }
0x55: {  	v14 =	vmov s5  }
0x56: {  	v6 =	vadd.s32 $0x2780, v12;
	v5 =	vadd.s32 $0x4F00, v12;
	v4 =	vadd.s32 $0x7680, v12;
	v13 =	vpop (erf)  }
0x57: {  	v3 =	vadd.s32 $0x9E00, v12;
	v15 =	vmul.f32 v13, v2;
	v10 =	vmul.f32 v13, v7  }
0x58: {  	v2 =	vshll.u32 v14, $0x3;
	v8 =	vmul.f32 v13, v8;
	v7 =	vmul.f32 v13, v9  }
0x59: {  	s1 =	simm.s32 $0x20;
	s0 =	simm.s32 $0x7D0;
	v11 =	vmul.f32 v13, v11;
	v9 =	vadd.s32 $0xC580, v12;
	v2 =	vor.u32 v0, v2;
	[tilespmem:v12+s21+$0x0] =	vst.idx.add.f32.msk $0xffff, v15  }
.LBB2_2:
0x5a: {  	p0 =	sne.s32 s1, $0x7C0  }
0x5b: {  	v12 =	vor.u32 $0x1, v2;
	[tilespmem:v6+s21+$0x0] =	vst.idx.add.f32.msk $0xffff, v10;
	s0 =	sadd.s32 $0x10, s0;
	s5 =	smov.u32 s1;
	s1 =	sadd.s32 $0x10, s1  }
0x5c: {  	[tilespmem:v5+s21+$0x0] =	vst.idx.add.f32.msk $0xffff, v8  }
0x5d: {  	[tilespmem:v4+s21+$0x0] =	vst.idx.add.f32.msk $0xffff, v7  }
0x5e: {  	v4 =	vor.u32 $0x2, v2;
	[tilespmem:v3+s21+$0x0] =	vst.idx.add.f32.msk $0xffff, v11  }
0x5f: {  	[tilespmem:v9+s21+$0x0] =	vst.idx.add.f32.msk $0xffff, v1  }
0x60: {  	v3 =	vld.idx.msk [tilespmem:v2+s19+$0x0], $0xffff  }
0x61: {  	v6 =	vor.u32 $0x3, v2;
	v5 =	vld.idx.msk [tilespmem:v2+s20+$0x0], $0xffff  }
0x62: {  	v7 =	vld.idx.msk [tilespmem:v12+s19+$0x0], $0xffff  }
0x63: {  	v8 =	vld.idx.msk [tilespmem:v12+s20+$0x0], $0xffff  }
0x64: {  	v2 =	vor.u32 $0x4, v2;
	v9 =	vld.idx.msk [tilespmem:v4+s19+$0x0], $0xffff  }
0x65: {  	v4 =	vld.idx.msk [tilespmem:v4+s20+$0x0], $0xffff  }
0x66: {  	v10 =	vld.idx.msk [tilespmem:v6+s19+$0x0], $0xffff  }
0x67: {  	v3 =	vadd.f32 v5, v3;
	v5 =	vld.idx.msk [tilespmem:v6+s20+$0x0], $0xffff;
	_ =	sdelay $0x1  }
0x68: {  	v6 =	vadd.f32 v8, v7;
	v8 =	vmul.f32 $9.999999770e-03, v3;
	v7 =	vld.idx.msk [tilespmem:v2+s19+$0x0], $0xffff  }
0x69: {  	vm0 =	vge.f32 v3, $0.0e+00;
	v2 =	vld.idx.msk [tilespmem:v2+s20+$0x0], $0xffff  }
0x6a: {  	v4 =	vadd.f32 v4, v9;
	v3 =	vsel vm0, v3, v8;
	v8 =	vmul.f32 $9.999999770e-03, v6  }
0x6b: {  	vm0 =	vge.f32 v6, $0.0e+00;
	v3 =	vmul.f32 $1.442695020e+00, v3  }
0x6c: {  	v5 =	vadd.f32 v5, v10;
	v6 =	vsel vm0, v6, v8;
	v8 =	vmul.f32 $9.999999770e-03, v4  }
0x6d: {  	vm0 =	vge.f32 v4, $0.0e+00;
	v6 =	vmul.f32 $1.442695020e+00, v6;
	(erf) = vpow2.f32 v3  }
0x6e: {  	v3 =	vsel vm0, v4, v8;
	vm0 =	vge.f32 v5, $0.0e+00;
	v4 =	vmul.f32 $9.999999770e-03, v5  }
0x6f: {  	v2 =	vadd.f32 v2, v7;
	v3 =	vmul.f32 $1.442695020e+00, v3;
	(erf) = vpow2.f32 v6  }
0x70: {  	v4 =	vsel vm0, v5, v4  }
0x71: {  	v5 =	vmul.f32 $9.999999770e-03, v2;
	(erf) = vpow2.f32 v3  }
0x72: {  	vm0 =	vge.f32 v2, $0.0e+00;
	v3 =	vmul.f32 $1.442695020e+00, v4  }
0x73: {  	v2 =	vsel vm0, v2, v5  }
0x74: {  	v2 =	vmul.f32 $1.442695020e+00, v2;
	(erf) = vpow2.f32 v3;
	_ =	sdelay $0x1  }
0x75: {  	v7 =	vpop (erf);
	(erf) = vpow2.f32 v2;
	_ =	sdelay $0x1  }
0x76: {  	v2 =	vpop (erf)  }
0x77: {  	v3 =	vadd.f32 v2, v7  }
0x78: {  	v8 =	vpop (erf)  }
0x79: {  	v3 =	vadd.f32 v8, v3;
	_ =	sdelay $0x1  }
0x7a: {  	v9 =	vpop (erf)  }
0x7b: {  	v3 =	vadd.f32 v9, v3  }
0x7c: {  	v11 =	vpop (erf)  }
0x7d: {  	v3 =	vadd.f32 v11, v3;
	_ =	sdelay $0x1  }
0x7e: {  	(erf) = vrcp.f32 v3;
	_ =	sdelay $0x2  }
0x7f: {  	v12 =	vld [tilespmem:s0+$0x0];
	_ =	sdelay $0x4  }
.Ltmp0:
0x80: {  	v6 =	vadd.s32 $0x2780, v12;
	(pc) =	sbr.rel @p0 .LBB2_2-.Ltmp0, $4  }
0x81: {  	v5 =	vadd.s32 $0x4F00, v12;
	v4 =	vadd.s32 $0x7680, v12;
	v3 =	vadd.s32 $0x9E00, v12;
	v13 =	vpop (erf)  }
0x82: {  	v14 =	vmov s5;
	v15 =	vmul.f32 v13, v7;
	v10 =	vmul.f32 v13, v2  }
0x83: {  	v2 =	vshll.u32 v14, $0x3;
	v8 =	vmul.f32 v13, v8;
	v7 =	vmul.f32 v13, v9  }
0x84: {  	v11 =	vmul.f32 v13, v11;
	v9 =	vadd.s32 $0xC580, v12;
	v2 =	vor.u32 v0, v2;
	[tilespmem:v12+s21+$0x0] =	vst.idx.add.f32.msk $0xffff, v15  }
0x85: {  	_ =	sdelay $0x3  }
0x86: {  	[tilespmem:v6+s21+$0x0] =	vst.idx.add.f32.msk $0xffff, v10  }
0x87: {  	[tilespmem:v5+s21+$0x0] =	vst.idx.add.f32.msk $0xffff, v8  }
0x88: {  	v5 =	vor.u32 $0x1, v2;
	[tilespmem:v4+s21+$0x0] =	vst.idx.add.f32.msk $0xffff, v7  }
0x89: {  	[tilespmem:v3+s21+$0x0] =	vst.idx.add.f32.msk $0xffff, v11  }
0x8a: {  	v7 =	vor.u32 $0x3, v2;
	[tilespmem:v9+s21+$0x0] =	vst.idx.add.f32.msk $0xffff, v1  }
0x8b: {  	v3 =	vor.u32 $0x2, v2;
	v4 =	vld.idx.msk [tilespmem:v2+s19+$0x0], $0xffff  }
0x8c: {  	v6 =	vld.idx.msk [tilespmem:v2+s20+$0x0], $0xffff  }
0x8d: {  	v8 =	vld.idx.msk [tilespmem:v5+s19+$0x0], $0xffff  }
0x8e: {  	v2 =	vor.u32 $0x4, v2;
	v5 =	vld.idx.msk [tilespmem:v5+s20+$0x0], $0xffff  }
0x8f: {  	v10 =	vld.idx.msk [tilespmem:v7+s19+$0x0], $0xffff  }
0x90: {  	v9 =	vld.idx.msk [tilespmem:v3+s19+$0x0], $0xffff  }
0x91: {  	v3 =	vld.idx.msk [tilespmem:v3+s20+$0x0], $0xffff  }
0x92: {  	v4 =	vadd.f32 v6, v4;
	v6 =	vld.idx.msk [tilespmem:v7+s20+$0x0], $0xffff  }
0x93: {  	v7 =	vld.idx.msk [tilespmem:v2+s19+$0x0], $0xffff  }
0x94: {  	v2 =	vld.idx.msk [tilespmem:v2+s20+$0x0], $0xffff;
	v5 =	vadd.f32 v5, v8;
	v8 =	vmul.f32 $9.999999770e-03, v4  }
0x95: {  	vm0 =	vge.f32 v4, $0.0e+00  }
0x96: {  	v3 =	vadd.f32 v3, v9;
	v4 =	vsel vm0, v4, v8;
	v8 =	vmul.f32 $9.999999770e-03, v5  }
0x97: {  	vm7 =	vge.f32 v5, $0.0e+00;
	v4 =	vmul.f32 $1.442695020e+00, v4  }
0x98: {  	v6 =	vadd.f32 v6, v10;
	v5 =	vsel vm7, v5, v8;
	v8 =	vmul.f32 $9.999999770e-03, v3  }
0x99: {  	vm8 =	vge.f32 v3, $0.0e+00;
	v2 =	vadd.f32 v2, v7;
	v5 =	vmul.f32 $1.442695020e+00, v5  }
0x9a: {  	(erf) = vpow2.f32 v4;
	v4 =	vmul.f32 $9.999999770e-03, v6;
	v3 =	vsel vm8, v3, v8  }
0x9b: {  	vm9 =	vge.f32 v6, $0.0e+00;
	v3 =	vmul.f32 $1.442695020e+00, v3;
	(erf) = vpow2.f32 v5  }
0x9c: {  	v4 =	vsel vm9, v6, v4;
	v5 =	vmul.f32 $9.999999770e-03, v2  }
0x9d: {  	vm10 =	vge.f32 v2, $0.0e+00;
	(erf) = vpow2.f32 v3;
	v3 =	vmul.f32 $1.442695020e+00, v4  }
0x9e: {  	v2 =	vsel vm10, v2, v5  }
0x9f: {  	v2 =	vmul.f32 $1.442695020e+00, v2;
	(erf) = vpow2.f32 v3;
	_ =	sdelay $0x1  }
0xa0: {  	(erf) = vpow2.f32 v2;
	_ =	sdelay $0x1  }
0xa1: {  	v2 =	vpop (erf)  }
0xa2: {  	v3 =	vpop (erf)  }
0xa3: {  	v4 =	vadd.f32 v3, v2  }
0xa4: {  	v5 =	vpop (erf)  }
0xa5: {  	v4 =	vadd.f32 v5, v4  }
0xa6: {  	v6 =	vpop (erf)  }
0xa7: {  	v4 =	vadd.f32 v6, v4  }
0xa8: {  	v7 =	vpop (erf)  }
0xa9: {  	v4 =	vadd.f32 v7, v4;
	_ =	sdelay $0x1  }
0xaa: {  	(erf) = vrcp.f32 v4;
	_ =	sdelay $0x1  }
0xab: {  	s0 =	sadd.s32 $0x10, s0  }
0xac: {  	v4 =	vld [tilespmem:s0+$0x0];
	_ =	sdelay $0x4  }
0xad: {  	v8 =	vadd.s32 $0x2780, v4  }
0xae: {  	v9 =	vadd.s32 $0x4F00, v4;
	v10 =	vpop (erf)  }
0xaf: {  	v11 =	vadd.s32 $0x7680, v4;
	v2 =	vmul.f32 v10, v2  }
0xb0: {  	v12 =	vadd.s32 $0x9E00, v4;
	v3 =	vmul.f32 v10, v3  }
0xb1: {  	v5 =	vmul.f32 v10, v5;
	[tilespmem:v4+s21+$0x0] =	vst.idx.add.f32.msk $0xffff, v2;
	v2 =	vadd.s32 $0xC580, v4  }
0xb2: {  	v4 =	vmul.f32 v10, v6;
	[tilespmem:v8+s21+$0x0] =	vst.idx.add.f32.msk $0xffff, v3  }
0xb3: {  	v3 =	vmul.f32 v10, v7;
	[tilespmem:v9+s21+$0x0] =	vst.idx.add.f32.msk $0xffff, v5  }
0xb4: {  	[tilespmem:v11+s21+$0x0] =	vst.idx.add.f32.msk $0xffff, v4  }
0xb5: {  	[tilespmem:v12+s21+$0x0] =	vst.idx.add.f32.msk $0xffff, v3  }
0xb6: {  	[tilespmem:v2+s21+$0x0] =	vst.idx.add.f32.msk $0xffff, v1  }
0xb7: {  	_ =	swait.ge [sflag:s28], $0x2710  }
0xb8: {  	[sflag:s28] =	ssyncset.done $0x0  }
0xb9: {  	[sflag:s28] =	ssyncadd.s32 $0xFFFFD8F0  }
0xba: {  	_ =	swait.ge [sflag:s29], $0x2710  }
0xbb: {  	[sflag:s29] =	ssyncset.done $0x0  }
0xbc: {  	s5 =	simm.s32 $0x0;
	[sflag:s29] =	ssyncadd.s32 $0xFFFFD8F0  }
0xbd: {  	[tilespmem:s5], [sflag:$0x5] =	stream.linear.gather [hbm4b:s10+s5], $0x7D0, $0x38;
	[tilespmem:$0x1FE70] =	vst v63  }
0xbe: {  	_ =	swait.ge [sflag:s18], $0x7D0  }
0xbf: {  	[sflag:s18] =	ssyncset.done $0x0  }
0xc0: {  	[sflag:s18] =	ssyncadd.s32 $0xFFFFF830  }
0xc1: {  	v2 =	vmov s5;
	[tilespmem:s30], [sflag:$0x5] =	stream.linear.gather [hbm4b:s11+s5], $0x7D0, $0x38;
	[tilespmem:$0x1FE70] =	vst v63  }
0xc2: {  	v2 =	vshll.u32 v2, $0x3;
	_ =	swait.ge [sflag:s18], $0x7D0  }
0xc3: {  	v2 =	vor.u32 v0, v2;
	[sflag:s18] =	ssyncset.done $0x0  }
0xc4: {  	[sflag:s18] =	ssyncadd.s32 $0xFFFFF830  }
0xc5: {  	v3 =	vor.u32 $0x1, v2;
	[tilespmem:s19], [sflag:$0x1] =	stream.indirect.gather [hbm4b:s3+s30], $0x5, s5, s30, $0xb8;
	[tilespmem:$0x1FE70] =	vst v63  }
0xc6: {  	_ = 	snop  }
0xc7: {  	v4 =	vor.u32 $0x2, v2;
	[tilespmem:s20], [sflag:$0x3] =	stream.indirect.gather [hbm4b:s4+s30], $0x5, s30, s30, $0xb8;
	[tilespmem:$0x1FE70] =	vst v63  }
0xc8: {  	v5 =	vld.idx.msk [tilespmem:v2+s25+$0x0], $0xffff  }
0xc9: {  	v7 =	vor.u32 $0x3, v2;
	v6 =	vld.idx.msk [tilespmem:v2+s26+$0x0], $0xffff  }
0xca: {  	v8 =	vld.idx.msk [tilespmem:v3+s25+$0x0], $0xffff  }
0xcb: {  	v3 =	vld.idx.msk [tilespmem:v3+s26+$0x0], $0xffff;
	v2 =	vor.u32 $0x4, v2  }
0xcc: {  	v9 =	vld.idx.msk [tilespmem:v4+s25+$0x0], $0xffff  }
0xcd: {  	v4 =	vld.idx.msk [tilespmem:v4+s26+$0x0], $0xffff  }
0xce: {  	v10 =	vld.idx.msk [tilespmem:v7+s25+$0x0], $0xffff  }
0xcf: {  	v5 =	vadd.f32 v6, v5;
	v6 =	vld.idx.msk [tilespmem:v7+s26+$0x0], $0xffff  }
0xd0: {  	v7 =	vld.idx.msk [tilespmem:v2+s25+$0x0], $0xffff  }
0xd1: {  	v3 =	vadd.f32 v3, v8;
	v2 =	vld.idx.msk [tilespmem:v2+s26+$0x0], $0xffff;
	v8 =	vmul.f32 $9.999999770e-03, v5  }
0xd2: {  	vm11 =	vge.f32 v5, $0.0e+00  }
0xd3: {  	v4 =	vadd.f32 v4, v9;
	v5 =	vsel vm11, v5, v8;
	v8 =	vmul.f32 $9.999999770e-03, v3  }
0xd4: {  	vm12 =	vge.f32 v3, $0.0e+00;
	v5 =	vmul.f32 $1.442695020e+00, v5  }
0xd5: {  	v6 =	vadd.f32 v6, v10;
	v3 =	vsel vm12, v3, v8;
	v8 =	vmul.f32 $9.999999770e-03, v4  }
0xd6: {  	vm13 =	vge.f32 v4, $0.0e+00;
	v2 =	vadd.f32 v2, v7;
	v3 =	vmul.f32 $1.442695020e+00, v3  }
0xd7: {  	(erf) = vpow2.f32 v5;
	v5 =	vmul.f32 $9.999999770e-03, v6;
	v4 =	vsel vm13, v4, v8  }
0xd8: {  	vm14 =	vge.f32 v6, $0.0e+00;
	v4 =	vmul.f32 $1.442695020e+00, v4;
	(erf) = vpow2.f32 v3  }
0xd9: {  	v3 =	vsel vm14, v6, v5;
	v5 =	vmul.f32 $9.999999770e-03, v2  }
0xda: {  	vm15 =	vge.f32 v2, $0.0e+00;
	v3 =	vmul.f32 $1.442695020e+00, v3;
	(erf) = vpow2.f32 v4  }
0xdb: {  	v2 =	vsel vm15, v2, v5  }
0xdc: {  	v2 =	vmul.f32 $1.442695020e+00, v2;
	(erf) = vpow2.f32 v3;
	_ =	sdelay $0x1  }
0xdd: {  	(erf) = vpow2.f32 v2;
	_ =	sdelay $0x1  }
0xde: {  	v2 =	vpop (erf)  }
0xdf: {  	v7 =	vpop (erf)  }
0xe0: {  	v3 =	vadd.f32 v7, v2  }
0xe1: {  	v8 =	vpop (erf)  }
0xe2: {  	v3 =	vadd.f32 v8, v3  }
0xe3: {  	v9 =	vpop (erf)  }
0xe4: {  	v3 =	vadd.f32 v9, v3  }
0xe5: {  	v11 =	vpop (erf)  }
0xe6: {  	v3 =	vadd.f32 v11, v3;
	_ =	sdelay $0x1  }
0xe7: {  	(erf) = vrcp.f32 v3;
	_ =	sdelay $0x2  }
0xe8: {  	s0 =	simm.s32 $0xFA0  }
0xe9: {  	v63 =	vld [tilespmem:s0+$0x0];
	_ =	sdelay $0x2  }
0xea: {  	s1 =	simm.s32 $0x10  }
0xeb: {  	v14 =	vmov s1  }
0xec: {  	v6 =	vadd.s32 $0x2780, v63;
	v5 =	vadd.s32 $0x4F00, v63;
	v4 =	vadd.s32 $0x7680, v63;
	v13 =	vpop (erf)  }
0xed: {  	v3 =	vadd.s32 $0x9E00, v63;
	v15 =	vmul.f32 v13, v2;
	v10 =	vmul.f32 v13, v7  }
0xee: {  	v2 =	vshll.u32 v14, $0x3;
	v8 =	vmul.f32 v13, v8;
	v7 =	vmul.f32 v13, v9  }
0xef: {  	s1 =	simm.s32 $0x20;
	v11 =	vmul.f32 v13, v11;
	v9 =	vadd.s32 $0xC580, v63;
	v2 =	vor.u32 v0, v2;
	[tilespmem:v63+s21+$0x0] =	vst.idx.add.f32.msk $0xffff, v15  }
.LBB2_4:
0xf0: {  	p0 =	sne.s32 s1, $0x7C0  }
0xf1: {  	v12 =	vor.u32 $0x1, v2;
	[tilespmem:v6+s21+$0x0] =	vst.idx.add.f32.msk $0xffff, v10;
	s0 =	sadd.s32 $0x10, s0;
	s5 =	smov.u32 s1;
	s1 =	sadd.s32 $0x10, s1  }
0xf2: {  	[tilespmem:v5+s21+$0x0] =	vst.idx.add.f32.msk $0xffff, v8  }
0xf3: {  	[tilespmem:v4+s21+$0x0] =	vst.idx.add.f32.msk $0xffff, v7  }
0xf4: {  	v4 =	vor.u32 $0x2, v2;
	[tilespmem:v3+s21+$0x0] =	vst.idx.add.f32.msk $0xffff, v11  }
0xf5: {  	[tilespmem:v9+s21+$0x0] =	vst.idx.add.f32.msk $0xffff, v1  }
0xf6: {  	v3 =	vld.idx.msk [tilespmem:v2+s25+$0x0], $0xffff  }
0xf7: {  	v6 =	vor.u32 $0x3, v2;
	v5 =	vld.idx.msk [tilespmem:v2+s26+$0x0], $0xffff  }
0xf8: {  	v7 =	vld.idx.msk [tilespmem:v12+s25+$0x0], $0xffff  }
0xf9: {  	v8 =	vld.idx.msk [tilespmem:v12+s26+$0x0], $0xffff  }
0xfa: {  	v2 =	vor.u32 $0x4, v2;
	v9 =	vld.idx.msk [tilespmem:v4+s25+$0x0], $0xffff  }
0xfb: {  	v4 =	vld.idx.msk [tilespmem:v4+s26+$0x0], $0xffff  }
0xfc: {  	v10 =	vld.idx.msk [tilespmem:v6+s25+$0x0], $0xffff  }
0xfd: {  	v3 =	vadd.f32 v5, v3;
	v5 =	vld.idx.msk [tilespmem:v6+s26+$0x0], $0xffff;
	_ =	sdelay $0x1  }
0xfe: {  	v6 =	vadd.f32 v8, v7;
	v8 =	vmul.f32 $9.999999770e-03, v3;
	v7 =	vld.idx.msk [tilespmem:v2+s25+$0x0], $0xffff  }
0xff: {  	vm0 =	vge.f32 v3, $0.0e+00;
	v2 =	vld.idx.msk [tilespmem:v2+s26+$0x0], $0xffff  }
0x100: {  	v4 =	vadd.f32 v4, v9;
	v3 =	vsel vm0, v3, v8;
	v8 =	vmul.f32 $9.999999770e-03, v6  }
0x101: {  	vm0 =	vge.f32 v6, $0.0e+00;
	v3 =	vmul.f32 $1.442695020e+00, v3  }
0x102: {  	v5 =	vadd.f32 v5, v10;
	v6 =	vsel vm0, v6, v8;
	v8 =	vmul.f32 $9.999999770e-03, v4  }
0x103: {  	vm0 =	vge.f32 v4, $0.0e+00;
	v6 =	vmul.f32 $1.442695020e+00, v6;
	(erf) = vpow2.f32 v3  }
0x104: {  	v3 =	vsel vm0, v4, v8;
	vm0 =	vge.f32 v5, $0.0e+00;
	v4 =	vmul.f32 $9.999999770e-03, v5  }
0x105: {  	v2 =	vadd.f32 v2, v7;
	v3 =	vmul.f32 $1.442695020e+00, v3;
	(erf) = vpow2.f32 v6  }
0x106: {  	v4 =	vsel vm0, v5, v4  }
0x107: {  	v5 =	vmul.f32 $9.999999770e-03, v2;
	(erf) = vpow2.f32 v3  }
0x108: {  	vm0 =	vge.f32 v2, $0.0e+00;
	v3 =	vmul.f32 $1.442695020e+00, v4  }
0x109: {  	v2 =	vsel vm0, v2, v5  }
0x10a: {  	v2 =	vmul.f32 $1.442695020e+00, v2;
	(erf) = vpow2.f32 v3;
	_ =	sdelay $0x1  }
0x10b: {  	v7 =	vpop (erf);
	(erf) = vpow2.f32 v2;
	_ =	sdelay $0x1  }
0x10c: {  	v2 =	vpop (erf)  }
0x10d: {  	v3 =	vadd.f32 v2, v7  }
0x10e: {  	v8 =	vpop (erf)  }
0x10f: {  	v3 =	vadd.f32 v8, v3;
	_ =	sdelay $0x1  }
0x110: {  	v9 =	vpop (erf)  }
0x111: {  	v3 =	vadd.f32 v9, v3  }
0x112: {  	v11 =	vpop (erf)  }
0x113: {  	v3 =	vadd.f32 v11, v3;
	_ =	sdelay $0x1  }
0x114: {  	(erf) = vrcp.f32 v3;
	_ =	sdelay $0x2  }
0x115: {  	v12 =	vld [tilespmem:s0+$0x0];
	_ =	sdelay $0x4  }
.Ltmp1:
0x116: {  	v6 =	vadd.s32 $0x2780, v12;
	(pc) =	sbr.rel @p0 .LBB2_4-.Ltmp1, $4  }
0x117: {  	v5 =	vadd.s32 $0x4F00, v12;
	v4 =	vadd.s32 $0x7680, v12;
	v3 =	vadd.s32 $0x9E00, v12;
	v13 =	vpop (erf)  }
0x118: {  	v14 =	vmov s5;
	v15 =	vmul.f32 v13, v7;
	v10 =	vmul.f32 v13, v2  }
0x119: {  	v2 =	vshll.u32 v14, $0x3;
	v8 =	vmul.f32 v13, v8;
	v7 =	vmul.f32 v13, v9  }
0x11a: {  	v11 =	vmul.f32 v13, v11;
	v9 =	vadd.s32 $0xC580, v12;
	v2 =	vor.u32 v0, v2;
	[tilespmem:v12+s21+$0x0] =	vst.idx.add.f32.msk $0xffff, v15  }
0x11b: {  	_ =	sdelay $0x3  }
0x11c: {  	[tilespmem:v6+s21+$0x0] =	vst.idx.add.f32.msk $0xffff, v10  }
0x11d: {  	[tilespmem:v5+s21+$0x0] =	vst.idx.add.f32.msk $0xffff, v8  }
0x11e: {  	v5 =	vor.u32 $0x1, v2;
	[tilespmem:v4+s21+$0x0] =	vst.idx.add.f32.msk $0xffff, v7  }
0x11f: {  	[tilespmem:v3+s21+$0x0] =	vst.idx.add.f32.msk $0xffff, v11  }
0x120: {  	v7 =	vor.u32 $0x3, v2;
	[tilespmem:v9+s21+$0x0] =	vst.idx.add.f32.msk $0xffff, v1  }
0x121: {  	v3 =	vor.u32 $0x2, v2;
	v4 =	vld.idx.msk [tilespmem:v2+s25+$0x0], $0xffff  }
0x122: {  	v6 =	vld.idx.msk [tilespmem:v2+s26+$0x0], $0xffff  }
0x123: {  	v8 =	vld.idx.msk [tilespmem:v5+s25+$0x0], $0xffff  }
0x124: {  	v2 =	vor.u32 $0x4, v2;
	v5 =	vld.idx.msk [tilespmem:v5+s26+$0x0], $0xffff  }
0x125: {  	v10 =	vld.idx.msk [tilespmem:v7+s25+$0x0], $0xffff  }
0x126: {  	v9 =	vld.idx.msk [tilespmem:v3+s25+$0x0], $0xffff  }
0x127: {  	v3 =	vld.idx.msk [tilespmem:v3+s26+$0x0], $0xffff  }
0x128: {  	v4 =	vadd.f32 v6, v4;
	v6 =	vld.idx.msk [tilespmem:v7+s26+$0x0], $0xffff  }
0x129: {  	v7 =	vld.idx.msk [tilespmem:v2+s25+$0x0], $0xffff  }
0x12a: {  	v2 =	vld.idx.msk [tilespmem:v2+s26+$0x0], $0xffff;
	v5 =	vadd.f32 v5, v8;
	v8 =	vmul.f32 $9.999999770e-03, v4  }
0x12b: {  	vm0 =	vge.f32 v4, $0.0e+00  }
0x12c: {  	v3 =	vadd.f32 v3, v9;
	v4 =	vsel vm0, v4, v8;
	v8 =	vmul.f32 $9.999999770e-03, v5  }
0x12d: {  	vm7 =	vge.f32 v5, $0.0e+00;
	v4 =	vmul.f32 $1.442695020e+00, v4  }
0x12e: {  	v6 =	vadd.f32 v6, v10;
	v5 =	vsel vm7, v5, v8;
	v8 =	vmul.f32 $9.999999770e-03, v3  }
0x12f: {  	vm8 =	vge.f32 v3, $0.0e+00;
	v2 =	vadd.f32 v2, v7;
	v5 =	vmul.f32 $1.442695020e+00, v5  }
0x130: {  	(erf) = vpow2.f32 v4;
	v4 =	vmul.f32 $9.999999770e-03, v6;
	v3 =	vsel vm8, v3, v8  }
0x131: {  	vm9 =	vge.f32 v6, $0.0e+00;
	v3 =	vmul.f32 $1.442695020e+00, v3;
	(erf) = vpow2.f32 v5  }
0x132: {  	v4 =	vsel vm9, v6, v4;
	v5 =	vmul.f32 $9.999999770e-03, v2  }
0x133: {  	vm10 =	vge.f32 v2, $0.0e+00;
	(erf) = vpow2.f32 v3;
	v3 =	vmul.f32 $1.442695020e+00, v4  }
0x134: {  	v2 =	vsel vm10, v2, v5  }
0x135: {  	v2 =	vmul.f32 $1.442695020e+00, v2;
	(erf) = vpow2.f32 v3;
	_ =	sdelay $0x1  }
0x136: {  	(erf) = vpow2.f32 v2;
	_ =	sdelay $0x1  }
0x137: {  	v2 =	vpop (erf)  }
0x138: {  	v3 =	vpop (erf)  }
0x139: {  	v4 =	vadd.f32 v3, v2  }
0x13a: {  	v5 =	vpop (erf)  }
0x13b: {  	v4 =	vadd.f32 v5, v4  }
0x13c: {  	v6 =	vpop (erf)  }
0x13d: {  	v4 =	vadd.f32 v6, v4  }
0x13e: {  	v7 =	vpop (erf)  }
0x13f: {  	v4 =	vadd.f32 v7, v4;
	_ =	sdelay $0x1  }
0x140: {  	(erf) = vrcp.f32 v4;
	_ =	sdelay $0x1  }
0x141: {  	s0 =	sadd.s32 $0x10, s0  }
0x142: {  	v4 =	vld [tilespmem:s0+$0x0];
	_ =	sdelay $0x4  }
0x143: {  	v8 =	vadd.s32 $0x2780, v4  }
0x144: {  	v9 =	vadd.s32 $0x4F00, v4;
	v10 =	vpop (erf)  }
0x145: {  	v11 =	vadd.s32 $0x7680, v4;
	v2 =	vmul.f32 v10, v2  }
0x146: {  	v12 =	vadd.s32 $0x9E00, v4;
	v3 =	vmul.f32 v10, v3  }
0x147: {  	v5 =	vmul.f32 v10, v5;
	[tilespmem:v4+s21+$0x0] =	vst.idx.add.f32.msk $0xffff, v2;
	v2 =	vadd.s32 $0xC580, v4  }
0x148: {  	v4 =	vmul.f32 v10, v6;
	[tilespmem:v8+s21+$0x0] =	vst.idx.add.f32.msk $0xffff, v3  }
0x149: {  	v3 =	vmul.f32 v10, v7;
	[tilespmem:v9+s21+$0x0] =	vst.idx.add.f32.msk $0xffff, v5  }
0x14a: {  	[tilespmem:v11+s21+$0x0] =	vst.idx.add.f32.msk $0xffff, v4  }
0x14b: {  	[tilespmem:v12+s21+$0x0] =	vst.idx.add.f32.msk $0xffff, v3  }
0x14c: {  	[tilespmem:v2+s21+$0x0] =	vst.idx.add.f32.msk $0xffff, v1  }
0x14d: {  	_ =	swait.ge [sflag:s22], $0x2710  }
0x14e: {  	[sflag:s22] =	ssyncset.done $0x0  }
0x14f: {  	[sflag:s22] =	ssyncadd.s32 $0xFFFFD8F0  }
0x150: {  	_ =	swait.ge [sflag:s23], $0x2710  }
0x151: {  	[sflag:s23] =	ssyncset.done $0x0  }
0x152: {  	s1 =	simm.s32 $0x0;
	[sflag:s23] =	ssyncadd.s32 $0xFFFFD8F0  }
0x153: {  	[tilespmem:s1], [sflag:$0x5] =	stream.linear.gather [hbm4b:s12+s1], $0x7D0, $0x38;
	[tilespmem:$0x1FE70] =	vst v63  }
0x154: {  	_ =	swait.ge [sflag:s18], $0x7D0  }
0x155: {  	[sflag:s18] =	ssyncset.done $0x0  }
0x156: {  	[sflag:s18] =	ssyncadd.s32 $0xFFFFF830  }
0x157: {  	v2 =	vmov s1;
	[tilespmem:s24], [sflag:$0x5] =	stream.linear.gather [hbm4b:s13+s1], $0x7D0, $0x38;
	[tilespmem:$0x1FE70] =	vst v63  }
0x158: {  	v2 =	vshll.u32 v2, $0x3;
	_ =	swait.ge [sflag:s18], $0x7D0  }
0x159: {  	v2 =	vor.u32 v0, v2;
	[sflag:s18] =	ssyncset.done $0x0  }
0x15a: {  	s0 =	simm.s32 $0x7D0;
	[sflag:s18] =	ssyncadd.s32 $0xFFFFF830  }
0x15b: {  	v3 =	vor.u32 $0x1, v2;
	[tilespmem:s25], [sflag:$0x2] =	stream.indirect.gather [hbm4b:s3+s0], $0x5, s1, s0, $0xb8;
	[tilespmem:$0x1FE70] =	vst v63  }
0x15c: {  	_ = 	snop  }
0x15d: {  	v4 =	vor.u32 $0x2, v2;
	[tilespmem:s26], [sflag:$0x4] =	stream.indirect.gather [hbm4b:s4+s0], $0x5, s24, s0, $0xb8;
	[tilespmem:$0x1FE70] =	vst v63  }
0x15e: {  	v5 =	vld.idx.msk [tilespmem:v2+s19+$0x0], $0xffff  }
0x15f: {  	v7 =	vor.u32 $0x3, v2;
	v6 =	vld.idx.msk [tilespmem:v2+s20+$0x0], $0xffff  }
0x160: {  	v8 =	vld.idx.msk [tilespmem:v3+s19+$0x0], $0xffff  }
0x161: {  	v3 =	vld.idx.msk [tilespmem:v3+s20+$0x0], $0xffff;
	v2 =	vor.u32 $0x4, v2  }
0x162: {  	v9 =	vld.idx.msk [tilespmem:v4+s19+$0x0], $0xffff  }
0x163: {  	v4 =	vld.idx.msk [tilespmem:v4+s20+$0x0], $0xffff  }
0x164: {  	v10 =	vld.idx.msk [tilespmem:v7+s19+$0x0], $0xffff  }
0x165: {  	v5 =	vadd.f32 v6, v5;
	v6 =	vld.idx.msk [tilespmem:v7+s20+$0x0], $0xffff  }
0x166: {  	v7 =	vld.idx.msk [tilespmem:v2+s19+$0x0], $0xffff  }
0x167: {  	v3 =	vadd.f32 v3, v8;
	v2 =	vld.idx.msk [tilespmem:v2+s20+$0x0], $0xffff;
	v8 =	vmul.f32 $9.999999770e-03, v5  }
0x168: {  	vm11 =	vge.f32 v5, $0.0e+00  }
0x169: {  	v4 =	vadd.f32 v4, v9;
	v5 =	vsel vm11, v5, v8;
	v8 =	vmul.f32 $9.999999770e-03, v3  }
0x16a: {  	vm12 =	vge.f32 v3, $0.0e+00;
	v5 =	vmul.f32 $1.442695020e+00, v5  }
0x16b: {  	v6 =	vadd.f32 v6, v10;
	v3 =	vsel vm12, v3, v8;
	v8 =	vmul.f32 $9.999999770e-03, v4  }
0x16c: {  	vm13 =	vge.f32 v4, $0.0e+00;
	v2 =	vadd.f32 v2, v7;
	v3 =	vmul.f32 $1.442695020e+00, v3  }
0x16d: {  	(erf) = vpow2.f32 v5;
	v5 =	vmul.f32 $9.999999770e-03, v6;
	v4 =	vsel vm13, v4, v8  }
0x16e: {  	vm14 =	vge.f32 v6, $0.0e+00;
	v4 =	vmul.f32 $1.442695020e+00, v4;
	(erf) = vpow2.f32 v3  }
0x16f: {  	v3 =	vsel vm14, v6, v5;
	v5 =	vmul.f32 $9.999999770e-03, v2  }
0x170: {  	vm15 =	vge.f32 v2, $0.0e+00;
	v3 =	vmul.f32 $1.442695020e+00, v3;
	(erf) = vpow2.f32 v4  }
0x171: {  	v2 =	vsel vm15, v2, v5  }
0x172: {  	v2 =	vmul.f32 $1.442695020e+00, v2;
	(erf) = vpow2.f32 v3;
	_ =	sdelay $0x1  }
0x173: {  	(erf) = vpow2.f32 v2;
	_ =	sdelay $0x1  }
0x174: {  	v2 =	vpop (erf)  }
0x175: {  	v7 =	vpop (erf)  }
0x176: {  	v3 =	vadd.f32 v7, v2  }
0x177: {  	v8 =	vpop (erf)  }
0x178: {  	v3 =	vadd.f32 v8, v3  }
0x179: {  	v9 =	vpop (erf)  }
0x17a: {  	v3 =	vadd.f32 v9, v3  }
0x17b: {  	v11 =	vpop (erf)  }
0x17c: {  	v3 =	vadd.f32 v11, v3;
	_ =	sdelay $0x1  }
0x17d: {  	(erf) = vrcp.f32 v3;
	_ =	sdelay $0x3  }
0x17e: {  	v63 =	vld [tilespmem:s0+$0x0];
	_ =	sdelay $0x2  }
0x17f: {  	s5 =	simm.s32 $0x10  }
0x180: {  	v14 =	vmov s5  }
0x181: {  	v6 =	vadd.s32 $0x2780, v63;
	v5 =	vadd.s32 $0x4F00, v63;
	v4 =	vadd.s32 $0x7680, v63;
	v13 =	vpop (erf)  }
0x182: {  	v3 =	vadd.s32 $0x9E00, v63;
	v15 =	vmul.f32 v13, v2;
	v10 =	vmul.f32 v13, v7  }
0x183: {  	v2 =	vshll.u32 v14, $0x3;
	v8 =	vmul.f32 v13, v8;
	v7 =	vmul.f32 v13, v9  }
0x184: {  	s1 =	simm.s32 $0x20;
	v11 =	vmul.f32 v13, v11;
	v9 =	vadd.s32 $0xC580, v63;
	v2 =	vor.u32 v0, v2;
	[tilespmem:v63+s21+$0x0] =	vst.idx.add.f32.msk $0xffff, v15  }
.LBB2_6:
0x185: {  	p0 =	sne.s32 s1, $0x7C0  }
0x186: {  	v12 =	vor.u32 $0x1, v2;
	[tilespmem:v6+s21+$0x0] =	vst.idx.add.f32.msk $0xffff, v10;
	s0 =	sadd.s32 $0x10, s0;
	s5 =	smov.u32 s1;
	s1 =	sadd.s32 $0x10, s1  }
0x187: {  	[tilespmem:v5+s21+$0x0] =	vst.idx.add.f32.msk $0xffff, v8  }
0x188: {  	[tilespmem:v4+s21+$0x0] =	vst.idx.add.f32.msk $0xffff, v7  }
0x189: {  	v4 =	vor.u32 $0x2, v2;
	[tilespmem:v3+s21+$0x0] =	vst.idx.add.f32.msk $0xffff, v11  }
0x18a: {  	[tilespmem:v9+s21+$0x0] =	vst.idx.add.f32.msk $0xffff, v1  }
0x18b: {  	v3 =	vld.idx.msk [tilespmem:v2+s19+$0x0], $0xffff  }
0x18c: {  	v6 =	vor.u32 $0x3, v2;
	v5 =	vld.idx.msk [tilespmem:v2+s20+$0x0], $0xffff  }
0x18d: {  	v7 =	vld.idx.msk [tilespmem:v12+s19+$0x0], $0xffff  }
0x18e: {  	v8 =	vld.idx.msk [tilespmem:v12+s20+$0x0], $0xffff  }
0x18f: {  	v2 =	vor.u32 $0x4, v2;
	v9 =	vld.idx.msk [tilespmem:v4+s19+$0x0], $0xffff  }
0x190: {  	v4 =	vld.idx.msk [tilespmem:v4+s20+$0x0], $0xffff  }
0x191: {  	v10 =	vld.idx.msk [tilespmem:v6+s19+$0x0], $0xffff  }
0x192: {  	v3 =	vadd.f32 v5, v3;
	v5 =	vld.idx.msk [tilespmem:v6+s20+$0x0], $0xffff;
	_ =	sdelay $0x1  }
0x193: {  	v6 =	vadd.f32 v8, v7;
	v8 =	vmul.f32 $9.999999770e-03, v3;
	v7 =	vld.idx.msk [tilespmem:v2+s19+$0x0], $0xffff  }
0x194: {  	vm0 =	vge.f32 v3, $0.0e+00;
	v2 =	vld.idx.msk [tilespmem:v2+s20+$0x0], $0xffff  }
0x195: {  	v4 =	vadd.f32 v4, v9;
	v3 =	vsel vm0, v3, v8;
	v8 =	vmul.f32 $9.999999770e-03, v6  }
0x196: {  	vm0 =	vge.f32 v6, $0.0e+00;
	v3 =	vmul.f32 $1.442695020e+00, v3  }
0x197: {  	v5 =	vadd.f32 v5, v10;
	v6 =	vsel vm0, v6, v8;
	v8 =	vmul.f32 $9.999999770e-03, v4  }
0x198: {  	vm0 =	vge.f32 v4, $0.0e+00;
	v6 =	vmul.f32 $1.442695020e+00, v6;
	(erf) = vpow2.f32 v3  }
0x199: {  	v3 =	vsel vm0, v4, v8;
	vm0 =	vge.f32 v5, $0.0e+00;
	v4 =	vmul.f32 $9.999999770e-03, v5  }
0x19a: {  	v2 =	vadd.f32 v2, v7;
	v3 =	vmul.f32 $1.442695020e+00, v3;
	(erf) = vpow2.f32 v6  }
0x19b: {  	v4 =	vsel vm0, v5, v4  }
0x19c: {  	v5 =	vmul.f32 $9.999999770e-03, v2;
	(erf) = vpow2.f32 v3  }
0x19d: {  	vm0 =	vge.f32 v2, $0.0e+00;
	v3 =	vmul.f32 $1.442695020e+00, v4  }
0x19e: {  	v2 =	vsel vm0, v2, v5  }
0x19f: {  	v2 =	vmul.f32 $1.442695020e+00, v2;
	(erf) = vpow2.f32 v3;
	_ =	sdelay $0x1  }
0x1a0: {  	v7 =	vpop (erf);
	(erf) = vpow2.f32 v2;
	_ =	sdelay $0x1  }
0x1a1: {  	v2 =	vpop (erf)  }
0x1a2: {  	v3 =	vadd.f32 v2, v7  }
0x1a3: {  	v8 =	vpop (erf)  }
0x1a4: {  	v3 =	vadd.f32 v8, v3;
	_ =	sdelay $0x1  }
0x1a5: {  	v9 =	vpop (erf)  }
0x1a6: {  	v3 =	vadd.f32 v9, v3  }
0x1a7: {  	v11 =	vpop (erf)  }
0x1a8: {  	v3 =	vadd.f32 v11, v3;
	_ =	sdelay $0x1  }
0x1a9: {  	(erf) = vrcp.f32 v3;
	_ =	sdelay $0x2  }
0x1aa: {  	v12 =	vld [tilespmem:s0+$0x0];
	_ =	sdelay $0x4  }
.Ltmp2:
0x1ab: {  	v6 =	vadd.s32 $0x2780, v12;
	(pc) =	sbr.rel @p0 .LBB2_6-.Ltmp2, $4  }
0x1ac: {  	v5 =	vadd.s32 $0x4F00, v12;
	v4 =	vadd.s32 $0x7680, v12;
	v3 =	vadd.s32 $0x9E00, v12;
	v13 =	vpop (erf)  }
0x1ad: {  	v14 =	vmov s5;
	v15 =	vmul.f32 v13, v7;
	v10 =	vmul.f32 v13, v2  }
0x1ae: {  	v2 =	vshll.u32 v14, $0x3;
	v8 =	vmul.f32 v13, v8;
	v7 =	vmul.f32 v13, v9  }
0x1af: {  	v11 =	vmul.f32 v13, v11;
	v9 =	vadd.s32 $0xC580, v12;
	v2 =	vor.u32 v0, v2;
	[tilespmem:v12+s21+$0x0] =	vst.idx.add.f32.msk $0xffff, v15  }
0x1b0: {  	_ =	sdelay $0x3  }
0x1b1: {  	[tilespmem:v6+s21+$0x0] =	vst.idx.add.f32.msk $0xffff, v10  }
0x1b2: {  	[tilespmem:v5+s21+$0x0] =	vst.idx.add.f32.msk $0xffff, v8  }
0x1b3: {  	v5 =	vor.u32 $0x1, v2;
	[tilespmem:v4+s21+$0x0] =	vst.idx.add.f32.msk $0xffff, v7  }
0x1b4: {  	[tilespmem:v3+s21+$0x0] =	vst.idx.add.f32.msk $0xffff, v11  }
0x1b5: {  	v7 =	vor.u32 $0x3, v2;
	[tilespmem:v9+s21+$0x0] =	vst.idx.add.f32.msk $0xffff, v1  }
0x1b6: {  	v3 =	vor.u32 $0x2, v2;
	v4 =	vld.idx.msk [tilespmem:v2+s19+$0x0], $0xffff  }
0x1b7: {  	v6 =	vld.idx.msk [tilespmem:v2+s20+$0x0], $0xffff  }
0x1b8: {  	v8 =	vld.idx.msk [tilespmem:v5+s19+$0x0], $0xffff  }
0x1b9: {  	v2 =	vor.u32 $0x4, v2;
	v5 =	vld.idx.msk [tilespmem:v5+s20+$0x0], $0xffff  }
0x1ba: {  	v10 =	vld.idx.msk [tilespmem:v7+s19+$0x0], $0xffff  }
0x1bb: {  	v9 =	vld.idx.msk [tilespmem:v3+s19+$0x0], $0xffff  }
0x1bc: {  	v3 =	vld.idx.msk [tilespmem:v3+s20+$0x0], $0xffff  }
0x1bd: {  	v4 =	vadd.f32 v6, v4;
	v6 =	vld.idx.msk [tilespmem:v7+s20+$0x0], $0xffff  }
0x1be: {  	v7 =	vld.idx.msk [tilespmem:v2+s19+$0x0], $0xffff  }
0x1bf: {  	v2 =	vld.idx.msk [tilespmem:v2+s20+$0x0], $0xffff;
	v5 =	vadd.f32 v5, v8;
	v8 =	vmul.f32 $9.999999770e-03, v4  }
0x1c0: {  	vm0 =	vge.f32 v4, $0.0e+00  }
0x1c1: {  	v3 =	vadd.f32 v3, v9;
	v4 =	vsel vm0, v4, v8;
	v8 =	vmul.f32 $9.999999770e-03, v5  }
0x1c2: {  	vm7 =	vge.f32 v5, $0.0e+00;
	v4 =	vmul.f32 $1.442695020e+00, v4  }
0x1c3: {  	v6 =	vadd.f32 v6, v10;
	v5 =	vsel vm7, v5, v8;
	v8 =	vmul.f32 $9.999999770e-03, v3  }
0x1c4: {  	vm8 =	vge.f32 v3, $0.0e+00;
	v2 =	vadd.f32 v2, v7;
	v5 =	vmul.f32 $1.442695020e+00, v5  }
0x1c5: {  	(erf) = vpow2.f32 v4;
	v4 =	vmul.f32 $9.999999770e-03, v6;
	v3 =	vsel vm8, v3, v8  }
0x1c6: {  	vm9 =	vge.f32 v6, $0.0e+00;
	v3 =	vmul.f32 $1.442695020e+00, v3;
	(erf) = vpow2.f32 v5  }
0x1c7: {  	v4 =	vsel vm9, v6, v4;
	v5 =	vmul.f32 $9.999999770e-03, v2  }
0x1c8: {  	vm10 =	vge.f32 v2, $0.0e+00;
	(erf) = vpow2.f32 v3;
	v3 =	vmul.f32 $1.442695020e+00, v4  }
0x1c9: {  	v2 =	vsel vm10, v2, v5  }
0x1ca: {  	v2 =	vmul.f32 $1.442695020e+00, v2;
	(erf) = vpow2.f32 v3;
	_ =	sdelay $0x1  }
0x1cb: {  	(erf) = vpow2.f32 v2;
	_ =	sdelay $0x1  }
0x1cc: {  	v2 =	vpop (erf)  }
0x1cd: {  	v3 =	vpop (erf)  }
0x1ce: {  	v4 =	vadd.f32 v3, v2  }
0x1cf: {  	v5 =	vpop (erf)  }
0x1d0: {  	v4 =	vadd.f32 v5, v4  }
0x1d1: {  	v6 =	vpop (erf)  }
0x1d2: {  	v4 =	vadd.f32 v6, v4  }
0x1d3: {  	v7 =	vpop (erf)  }
0x1d4: {  	v4 =	vadd.f32 v7, v4;
	_ =	sdelay $0x1  }
0x1d5: {  	(erf) = vrcp.f32 v4;
	_ =	sdelay $0x1  }
0x1d6: {  	s0 =	sadd.s32 $0x10, s0  }
0x1d7: {  	v4 =	vld [tilespmem:s0+$0x0];
	_ =	sdelay $0x4  }
0x1d8: {  	v8 =	vadd.s32 $0x2780, v4  }
0x1d9: {  	v9 =	vadd.s32 $0x4F00, v4;
	v10 =	vpop (erf)  }
0x1da: {  	v11 =	vadd.s32 $0x7680, v4;
	v2 =	vmul.f32 v10, v2  }
0x1db: {  	v12 =	vadd.s32 $0x9E00, v4;
	v3 =	vmul.f32 v10, v3  }
0x1dc: {  	v5 =	vmul.f32 v10, v5;
	[tilespmem:v4+s21+$0x0] =	vst.idx.add.f32.msk $0xffff, v2;
	v2 =	vadd.s32 $0xC580, v4  }
0x1dd: {  	v4 =	vmul.f32 v10, v6;
	[tilespmem:v8+s21+$0x0] =	vst.idx.add.f32.msk $0xffff, v3  }
0x1de: {  	v3 =	vmul.f32 v10, v7;
	[tilespmem:v9+s21+$0x0] =	vst.idx.add.f32.msk $0xffff, v5  }
0x1df: {  	[tilespmem:v11+s21+$0x0] =	vst.idx.add.f32.msk $0xffff, v4  }
0x1e0: {  	[tilespmem:v12+s21+$0x0] =	vst.idx.add.f32.msk $0xffff, v3  }
0x1e1: {  	[tilespmem:v2+s21+$0x0] =	vst.idx.add.f32.msk $0xffff, v1  }
0x1e2: {  	_ =	swait.ge [sflag:s28], $0x2710  }
0x1e3: {  	[sflag:s28] =	ssyncset.done $0x0  }
0x1e4: {  	[sflag:s28] =	ssyncadd.s32 $0xFFFFD8F0  }
0x1e5: {  	_ =	swait.ge [sflag:s29], $0x2710  }
0x1e6: {  	[sflag:s29] =	ssyncset.done $0x0  }
0x1e7: {  	s5 =	simm.s32 $0x0;
	[sflag:s29] =	ssyncadd.s32 $0xFFFFD8F0  }
0x1e8: {  	[tilespmem:s5], [sflag:$0x5] =	stream.linear.gather [hbm4b:s14+s5], $0x7D0, $0x38;
	[tilespmem:$0x1FE70] =	vst v63  }
0x1e9: {  	_ =	swait.ge [sflag:s18], $0x7D0  }
0x1ea: {  	[sflag:s18] =	ssyncset.done $0x0  }
0x1eb: {  	[sflag:s18] =	ssyncadd.s32 $0xFFFFF830  }
0x1ec: {  	v2 =	vmov s5;
	[tilespmem:s30], [sflag:$0x5] =	stream.linear.gather [hbm4b:s15+s5], $0x7D0, $0x38;
	[tilespmem:$0x1FE70] =	vst v63  }
0x1ed: {  	v2 =	vshll.u32 v2, $0x3;
	_ =	swait.ge [sflag:s18], $0x7D0  }
0x1ee: {  	v2 =	vor.u32 v0, v2;
	[sflag:s18] =	ssyncset.done $0x0  }
0x1ef: {  	[sflag:s18] =	ssyncadd.s32 $0xFFFFF830  }
0x1f0: {  	v3 =	vor.u32 $0x1, v2;
	[tilespmem:s19], [sflag:$0x1] =	stream.indirect.gather [hbm4b:s3+s30], $0x5, s5, s30, $0xb8;
	[tilespmem:$0x1FE70] =	vst v63  }
0x1f1: {  	_ = 	snop  }
0x1f2: {  	v4 =	vor.u32 $0x2, v2;
	[tilespmem:s20], [sflag:$0x3] =	stream.indirect.gather [hbm4b:s4+s30], $0x5, s30, s30, $0xb8;
	[tilespmem:$0x1FE70] =	vst v63  }
0x1f3: {  	v5 =	vld.idx.msk [tilespmem:v2+s25+$0x0], $0xffff  }
0x1f4: {  	v7 =	vor.u32 $0x3, v2;
	v6 =	vld.idx.msk [tilespmem:v2+s26+$0x0], $0xffff  }
0x1f5: {  	v8 =	vld.idx.msk [tilespmem:v3+s25+$0x0], $0xffff  }
0x1f6: {  	v3 =	vld.idx.msk [tilespmem:v3+s26+$0x0], $0xffff;
	v2 =	vor.u32 $0x4, v2  }
0x1f7: {  	v9 =	vld.idx.msk [tilespmem:v4+s25+$0x0], $0xffff  }
0x1f8: {  	v4 =	vld.idx.msk [tilespmem:v4+s26+$0x0], $0xffff  }
0x1f9: {  	v10 =	vld.idx.msk [tilespmem:v7+s25+$0x0], $0xffff  }
0x1fa: {  	v5 =	vadd.f32 v6, v5;
	v6 =	vld.idx.msk [tilespmem:v7+s26+$0x0], $0xffff  }
0x1fb: {  	v7 =	vld.idx.msk [tilespmem:v2+s25+$0x0], $0xffff  }
0x1fc: {  	v3 =	vadd.f32 v3, v8;
	v2 =	vld.idx.msk [tilespmem:v2+s26+$0x0], $0xffff;
	v8 =	vmul.f32 $9.999999770e-03, v5  }
0x1fd: {  	vm11 =	vge.f32 v5, $0.0e+00  }
0x1fe: {  	v4 =	vadd.f32 v4, v9;
	v5 =	vsel vm11, v5, v8;
	v8 =	vmul.f32 $9.999999770e-03, v3  }
0x1ff: {  	vm12 =	vge.f32 v3, $0.0e+00;
	v5 =	vmul.f32 $1.442695020e+00, v5  }
0x200: {  	v6 =	vadd.f32 v6, v10;
	v3 =	vsel vm12, v3, v8;
	v8 =	vmul.f32 $9.999999770e-03, v4  }
0x201: {  	vm13 =	vge.f32 v4, $0.0e+00;
	v2 =	vadd.f32 v2, v7;
	v3 =	vmul.f32 $1.442695020e+00, v3  }
0x202: {  	(erf) = vpow2.f32 v5;
	v5 =	vmul.f32 $9.999999770e-03, v6;
	v4 =	vsel vm13, v4, v8  }
0x203: {  	vm14 =	vge.f32 v6, $0.0e+00;
	v4 =	vmul.f32 $1.442695020e+00, v4;
	(erf) = vpow2.f32 v3  }
0x204: {  	v3 =	vsel vm14, v6, v5;
	v5 =	vmul.f32 $9.999999770e-03, v2  }
0x205: {  	vm15 =	vge.f32 v2, $0.0e+00;
	v3 =	vmul.f32 $1.442695020e+00, v3;
	(erf) = vpow2.f32 v4  }
0x206: {  	v2 =	vsel vm15, v2, v5  }
0x207: {  	v2 =	vmul.f32 $1.442695020e+00, v2;
	(erf) = vpow2.f32 v3;
	_ =	sdelay $0x1  }
0x208: {  	(erf) = vpow2.f32 v2;
	_ =	sdelay $0x1  }
0x209: {  	v2 =	vpop (erf)  }
0x20a: {  	v7 =	vpop (erf)  }
0x20b: {  	v3 =	vadd.f32 v7, v2  }
0x20c: {  	v8 =	vpop (erf)  }
0x20d: {  	v3 =	vadd.f32 v8, v3  }
0x20e: {  	v9 =	vpop (erf)  }
0x20f: {  	v3 =	vadd.f32 v9, v3  }
0x210: {  	v11 =	vpop (erf)  }
0x211: {  	v3 =	vadd.f32 v11, v3;
	_ =	sdelay $0x1  }
0x212: {  	(erf) = vrcp.f32 v3;
	_ =	sdelay $0x2  }
0x213: {  	s0 =	simm.s32 $0xFA0  }
0x214: {  	v63 =	vld [tilespmem:s0+$0x0];
	_ =	sdelay $0x2  }
0x215: {  	s1 =	simm.s32 $0x10  }
0x216: {  	v14 =	vmov s1  }
0x217: {  	v6 =	vadd.s32 $0x2780, v63;
	v5 =	vadd.s32 $0x4F00, v63;
	v4 =	vadd.s32 $0x7680, v63;
	v13 =	vpop (erf)  }
0x218: {  	v3 =	vadd.s32 $0x9E00, v63;
	v15 =	vmul.f32 v13, v2;
	v10 =	vmul.f32 v13, v7  }
0x219: {  	v2 =	vshll.u32 v14, $0x3;
	v8 =	vmul.f32 v13, v8;
	v7 =	vmul.f32 v13, v9  }
0x21a: {  	s1 =	simm.s32 $0x20;
	v11 =	vmul.f32 v13, v11;
	v9 =	vadd.s32 $0xC580, v63;
	v2 =	vor.u32 v0, v2;
	[tilespmem:v63+s21+$0x0] =	vst.idx.add.f32.msk $0xffff, v15  }
.LBB2_8:
0x21b: {  	p0 =	sne.s32 s1, $0x7C0  }
0x21c: {  	v12 =	vor.u32 $0x1, v2;
	[tilespmem:v6+s21+$0x0] =	vst.idx.add.f32.msk $0xffff, v10;
	s0 =	sadd.s32 $0x10, s0;
	s5 =	smov.u32 s1;
	s1 =	sadd.s32 $0x10, s1  }
0x21d: {  	[tilespmem:v5+s21+$0x0] =	vst.idx.add.f32.msk $0xffff, v8  }
0x21e: {  	[tilespmem:v4+s21+$0x0] =	vst.idx.add.f32.msk $0xffff, v7  }
0x21f: {  	v4 =	vor.u32 $0x2, v2;
	[tilespmem:v3+s21+$0x0] =	vst.idx.add.f32.msk $0xffff, v11  }
0x220: {  	[tilespmem:v9+s21+$0x0] =	vst.idx.add.f32.msk $0xffff, v1  }
0x221: {  	v3 =	vld.idx.msk [tilespmem:v2+s25+$0x0], $0xffff  }
0x222: {  	v6 =	vor.u32 $0x3, v2;
	v5 =	vld.idx.msk [tilespmem:v2+s26+$0x0], $0xffff  }
0x223: {  	v7 =	vld.idx.msk [tilespmem:v12+s25+$0x0], $0xffff  }
0x224: {  	v8 =	vld.idx.msk [tilespmem:v12+s26+$0x0], $0xffff  }
0x225: {  	v2 =	vor.u32 $0x4, v2;
	v9 =	vld.idx.msk [tilespmem:v4+s25+$0x0], $0xffff  }
0x226: {  	v4 =	vld.idx.msk [tilespmem:v4+s26+$0x0], $0xffff  }
0x227: {  	v10 =	vld.idx.msk [tilespmem:v6+s25+$0x0], $0xffff  }
0x228: {  	v3 =	vadd.f32 v5, v3;
	v5 =	vld.idx.msk [tilespmem:v6+s26+$0x0], $0xffff;
	_ =	sdelay $0x1  }
0x229: {  	v6 =	vadd.f32 v8, v7;
	v8 =	vmul.f32 $9.999999770e-03, v3;
	v7 =	vld.idx.msk [tilespmem:v2+s25+$0x0], $0xffff  }
0x22a: {  	vm0 =	vge.f32 v3, $0.0e+00;
	v2 =	vld.idx.msk [tilespmem:v2+s26+$0x0], $0xffff  }
0x22b: {  	v4 =	vadd.f32 v4, v9;
	v3 =	vsel vm0, v3, v8;
	v8 =	vmul.f32 $9.999999770e-03, v6  }
0x22c: {  	vm0 =	vge.f32 v6, $0.0e+00;
	v3 =	vmul.f32 $1.442695020e+00, v3  }
0x22d: {  	v5 =	vadd.f32 v5, v10;
	v6 =	vsel vm0, v6, v8;
	v8 =	vmul.f32 $9.999999770e-03, v4  }
0x22e: {  	vm0 =	vge.f32 v4, $0.0e+00;
	v6 =	vmul.f32 $1.442695020e+00, v6;
	(erf) = vpow2.f32 v3  }
0x22f: {  	v3 =	vsel vm0, v4, v8;
	vm0 =	vge.f32 v5, $0.0e+00;
	v4 =	vmul.f32 $9.999999770e-03, v5  }
0x230: {  	v2 =	vadd.f32 v2, v7;
	v3 =	vmul.f32 $1.442695020e+00, v3;
	(erf) = vpow2.f32 v6  }
0x231: {  	v4 =	vsel vm0, v5, v4  }
0x232: {  	v5 =	vmul.f32 $9.999999770e-03, v2;
	(erf) = vpow2.f32 v3  }
0x233: {  	vm0 =	vge.f32 v2, $0.0e+00;
	v3 =	vmul.f32 $1.442695020e+00, v4  }
0x234: {  	v2 =	vsel vm0, v2, v5  }
0x235: {  	v2 =	vmul.f32 $1.442695020e+00, v2;
	(erf) = vpow2.f32 v3;
	_ =	sdelay $0x1  }
0x236: {  	v7 =	vpop (erf);
	(erf) = vpow2.f32 v2;
	_ =	sdelay $0x1  }
0x237: {  	v2 =	vpop (erf)  }
0x238: {  	v3 =	vadd.f32 v2, v7  }
0x239: {  	v8 =	vpop (erf)  }
0x23a: {  	v3 =	vadd.f32 v8, v3;
	_ =	sdelay $0x1  }
0x23b: {  	v9 =	vpop (erf)  }
0x23c: {  	v3 =	vadd.f32 v9, v3  }
0x23d: {  	v11 =	vpop (erf)  }
0x23e: {  	v3 =	vadd.f32 v11, v3;
	_ =	sdelay $0x1  }
0x23f: {  	(erf) = vrcp.f32 v3;
	_ =	sdelay $0x2  }
0x240: {  	v12 =	vld [tilespmem:s0+$0x0];
	_ =	sdelay $0x4  }
.Ltmp3:
0x241: {  	v6 =	vadd.s32 $0x2780, v12;
	(pc) =	sbr.rel @p0 .LBB2_8-.Ltmp3, $4  }
0x242: {  	v5 =	vadd.s32 $0x4F00, v12;
	v4 =	vadd.s32 $0x7680, v12;
	v3 =	vadd.s32 $0x9E00, v12;
	v13 =	vpop (erf)  }
0x243: {  	v14 =	vmov s5;
	v15 =	vmul.f32 v13, v7;
	v10 =	vmul.f32 v13, v2  }
0x244: {  	v2 =	vshll.u32 v14, $0x3;
	v8 =	vmul.f32 v13, v8;
	v7 =	vmul.f32 v13, v9  }
0x245: {  	v11 =	vmul.f32 v13, v11;
	v9 =	vadd.s32 $0xC580, v12;
	v2 =	vor.u32 v0, v2;
	[tilespmem:v12+s21+$0x0] =	vst.idx.add.f32.msk $0xffff, v15  }
0x246: {  	_ =	sdelay $0x3  }
0x247: {  	[tilespmem:v6+s21+$0x0] =	vst.idx.add.f32.msk $0xffff, v10  }
0x248: {  	[tilespmem:v5+s21+$0x0] =	vst.idx.add.f32.msk $0xffff, v8  }
0x249: {  	v5 =	vor.u32 $0x1, v2;
	[tilespmem:v4+s21+$0x0] =	vst.idx.add.f32.msk $0xffff, v7  }
0x24a: {  	[tilespmem:v3+s21+$0x0] =	vst.idx.add.f32.msk $0xffff, v11  }
0x24b: {  	v7 =	vor.u32 $0x3, v2;
	[tilespmem:v9+s21+$0x0] =	vst.idx.add.f32.msk $0xffff, v1  }
0x24c: {  	v3 =	vor.u32 $0x2, v2;
	v4 =	vld.idx.msk [tilespmem:v2+s25+$0x0], $0xffff  }
0x24d: {  	v6 =	vld.idx.msk [tilespmem:v2+s26+$0x0], $0xffff  }
0x24e: {  	v8 =	vld.idx.msk [tilespmem:v5+s25+$0x0], $0xffff  }
0x24f: {  	v2 =	vor.u32 $0x4, v2;
	v5 =	vld.idx.msk [tilespmem:v5+s26+$0x0], $0xffff  }
0x250: {  	v10 =	vld.idx.msk [tilespmem:v7+s25+$0x0], $0xffff  }
0x251: {  	v9 =	vld.idx.msk [tilespmem:v3+s25+$0x0], $0xffff  }
0x252: {  	v3 =	vld.idx.msk [tilespmem:v3+s26+$0x0], $0xffff  }
0x253: {  	v4 =	vadd.f32 v6, v4;
	v6 =	vld.idx.msk [tilespmem:v7+s26+$0x0], $0xffff  }
0x254: {  	v7 =	vld.idx.msk [tilespmem:v2+s25+$0x0], $0xffff  }
0x255: {  	v2 =	vld.idx.msk [tilespmem:v2+s26+$0x0], $0xffff;
	v5 =	vadd.f32 v5, v8;
	v8 =	vmul.f32 $9.999999770e-03, v4  }
0x256: {  	vm0 =	vge.f32 v4, $0.0e+00  }
0x257: {  	v3 =	vadd.f32 v3, v9;
	v4 =	vsel vm0, v4, v8;
	v8 =	vmul.f32 $9.999999770e-03, v5  }
0x258: {  	vm7 =	vge.f32 v5, $0.0e+00;
	v4 =	vmul.f32 $1.442695020e+00, v4  }
0x259: {  	v6 =	vadd.f32 v6, v10;
	v5 =	vsel vm7, v5, v8;
	v8 =	vmul.f32 $9.999999770e-03, v3  }
0x25a: {  	vm8 =	vge.f32 v3, $0.0e+00;
	v2 =	vadd.f32 v2, v7;
	v5 =	vmul.f32 $1.442695020e+00, v5  }
0x25b: {  	(erf) = vpow2.f32 v4;
	v4 =	vmul.f32 $9.999999770e-03, v6;
	v3 =	vsel vm8, v3, v8  }
0x25c: {  	vm9 =	vge.f32 v6, $0.0e+00;
	v3 =	vmul.f32 $1.442695020e+00, v3;
	(erf) = vpow2.f32 v5  }
0x25d: {  	v4 =	vsel vm9, v6, v4;
	v5 =	vmul.f32 $9.999999770e-03, v2  }
0x25e: {  	vm10 =	vge.f32 v2, $0.0e+00;
	(erf) = vpow2.f32 v3;
	v3 =	vmul.f32 $1.442695020e+00, v4  }
0x25f: {  	v2 =	vsel vm10, v2, v5  }
0x260: {  	v2 =	vmul.f32 $1.442695020e+00, v2;
	(erf) = vpow2.f32 v3;
	_ =	sdelay $0x1  }
0x261: {  	(erf) = vpow2.f32 v2;
	_ =	sdelay $0x1  }
0x262: {  	v2 =	vpop (erf)  }
0x263: {  	v3 =	vpop (erf)  }
0x264: {  	v4 =	vadd.f32 v3, v2  }
0x265: {  	v5 =	vpop (erf)  }
0x266: {  	v4 =	vadd.f32 v5, v4  }
0x267: {  	v6 =	vpop (erf)  }
0x268: {  	v4 =	vadd.f32 v6, v4  }
0x269: {  	v7 =	vpop (erf)  }
0x26a: {  	v4 =	vadd.f32 v7, v4;
	_ =	sdelay $0x1  }
0x26b: {  	(erf) = vrcp.f32 v4;
	_ =	sdelay $0x1  }
0x26c: {  	s0 =	sadd.s32 $0x10, s0  }
0x26d: {  	v4 =	vld [tilespmem:s0+$0x0];
	_ =	sdelay $0x4  }
0x26e: {  	v8 =	vadd.s32 $0x2780, v4  }
0x26f: {  	v9 =	vadd.s32 $0x4F00, v4;
	v10 =	vpop (erf)  }
0x270: {  	v11 =	vadd.s32 $0x7680, v4;
	v2 =	vmul.f32 v10, v2  }
0x271: {  	v12 =	vadd.s32 $0x9E00, v4;
	v3 =	vmul.f32 v10, v3  }
0x272: {  	v5 =	vmul.f32 v10, v5;
	[tilespmem:v4+s21+$0x0] =	vst.idx.add.f32.msk $0xffff, v2;
	v2 =	vadd.s32 $0xC580, v4  }
0x273: {  	v4 =	vmul.f32 v10, v6;
	[tilespmem:v8+s21+$0x0] =	vst.idx.add.f32.msk $0xffff, v3  }
0x274: {  	v3 =	vmul.f32 v10, v7;
	[tilespmem:v9+s21+$0x0] =	vst.idx.add.f32.msk $0xffff, v5  }
0x275: {  	[tilespmem:v11+s21+$0x0] =	vst.idx.add.f32.msk $0xffff, v4  }
0x276: {  	s5 =	simm.s32 $0x0;
	[tilespmem:v12+s21+$0x0] =	vst.idx.add.f32.msk $0xffff, v3  }
0x277: {  	[tilespmem:v2+s21+$0x0] =	vst.idx.add.f32.msk $0xffff, v1;
	v2 =	vmov s5  }
0x278: {  	_ =	swait.ge [sflag:s22], $0x2710;
	v2 =	vshll.u32 v2, $0x3  }
0x279: {  	[sflag:s22] =	ssyncset.done $0x0;
	v2 =	vor.u32 v0, v2  }
0x27a: {  	[sflag:s22] =	ssyncadd.s32 $0xFFFFD8F0  }
0x27b: {  	v3 =	vor.u32 $0x1, v2;
	_ =	swait.ge [sflag:s23], $0x2710  }
0x27c: {  	[sflag:s23] =	ssyncset.done $0x0  }
0x27d: {  	v4 =	vor.u32 $0x2, v2;
	[sflag:s23] =	ssyncadd.s32 $0xFFFFD8F0  }
0x27e: {  	v5 =	vld.idx.msk [tilespmem:v2+s19+$0x0], $0xffff  }
0x27f: {  	v7 =	vor.u32 $0x3, v2;
	v6 =	vld.idx.msk [tilespmem:v2+s20+$0x0], $0xffff  }
0x280: {  	v8 =	vld.idx.msk [tilespmem:v3+s19+$0x0], $0xffff  }
0x281: {  	v2 =	vor.u32 $0x4, v2;
	v3 =	vld.idx.msk [tilespmem:v3+s20+$0x0], $0xffff  }
0x282: {  	v9 =	vld.idx.msk [tilespmem:v4+s19+$0x0], $0xffff  }
0x283: {  	v4 =	vld.idx.msk [tilespmem:v4+s20+$0x0], $0xffff  }
0x284: {  	v10 =	vld.idx.msk [tilespmem:v7+s19+$0x0], $0xffff  }
0x285: {  	v5 =	vadd.f32 v6, v5;
	v6 =	vld.idx.msk [tilespmem:v7+s20+$0x0], $0xffff  }
0x286: {  	v7 =	vld.idx.msk [tilespmem:v2+s19+$0x0], $0xffff  }
0x287: {  	v2 =	vld.idx.msk [tilespmem:v2+s20+$0x0], $0xffff;
	v3 =	vadd.f32 v3, v8;
	v8 =	vmul.f32 $9.999999770e-03, v5  }
0x288: {  	vm11 =	vge.f32 v5, $0.0e+00  }
0x289: {  	v4 =	vadd.f32 v4, v9;
	v5 =	vsel vm11, v5, v8;
	v8 =	vmul.f32 $9.999999770e-03, v3  }
0x28a: {  	vm12 =	vge.f32 v3, $0.0e+00;
	v5 =	vmul.f32 $1.442695020e+00, v5  }
0x28b: {  	v6 =	vadd.f32 v6, v10;
	v3 =	vsel vm12, v3, v8;
	v8 =	vmul.f32 $9.999999770e-03, v4  }
0x28c: {  	vm13 =	vge.f32 v4, $0.0e+00;
	v2 =	vadd.f32 v2, v7;
	v3 =	vmul.f32 $1.442695020e+00, v3  }
0x28d: {  	(erf) = vpow2.f32 v5;
	v5 =	vmul.f32 $9.999999770e-03, v6;
	v4 =	vsel vm13, v4, v8  }
0x28e: {  	vm14 =	vge.f32 v6, $0.0e+00;
	v4 =	vmul.f32 $1.442695020e+00, v4;
	(erf) = vpow2.f32 v3  }
0x28f: {  	v3 =	vsel vm14, v6, v5;
	v5 =	vmul.f32 $9.999999770e-03, v2  }
0x290: {  	vm15 =	vge.f32 v2, $0.0e+00;
	v3 =	vmul.f32 $1.442695020e+00, v3;
	(erf) = vpow2.f32 v4  }
0x291: {  	v2 =	vsel vm15, v2, v5  }
0x292: {  	v2 =	vmul.f32 $1.442695020e+00, v2;
	(erf) = vpow2.f32 v3;
	_ =	sdelay $0x1  }
0x293: {  	(erf) = vpow2.f32 v2;
	_ =	sdelay $0x1  }
0x294: {  	v2 =	vpop (erf)  }
0x295: {  	v7 =	vpop (erf)  }
0x296: {  	v3 =	vadd.f32 v7, v2  }
0x297: {  	v8 =	vpop (erf)  }
0x298: {  	v3 =	vadd.f32 v8, v3  }
0x299: {  	v9 =	vpop (erf)  }
0x29a: {  	v3 =	vadd.f32 v9, v3  }
0x29b: {  	v11 =	vpop (erf)  }
0x29c: {  	v3 =	vadd.f32 v11, v3;
	_ =	sdelay $0x1  }
0x29d: {  	(erf) = vrcp.f32 v3;
	_ =	sdelay $0x2  }
0x29e: {  	s0 =	simm.s32 $0x7D0  }
0x29f: {  	v63 =	vld [tilespmem:s0+$0x0];
	_ =	sdelay $0x2  }
0x2a0: {  	s1 =	simm.s32 $0x10  }
0x2a1: {  	v14 =	vmov s1  }
0x2a2: {  	v6 =	vadd.s32 $0x2780, v63;
	v5 =	vadd.s32 $0x4F00, v63;
	v4 =	vadd.s32 $0x7680, v63;
	v13 =	vpop (erf)  }
0x2a3: {  	v3 =	vadd.s32 $0x9E00, v63;
	v15 =	vmul.f32 v13, v2;
	v10 =	vmul.f32 v13, v7  }
0x2a4: {  	v2 =	vshll.u32 v14, $0x3;
	v8 =	vmul.f32 v13, v8;
	v7 =	vmul.f32 v13, v9  }
0x2a5: {  	s1 =	simm.s32 $0x20;
	v11 =	vmul.f32 v13, v11;
	v9 =	vadd.s32 $0xC580, v63;
	v2 =	vor.u32 v0, v2;
	[tilespmem:v63+s21+$0x0] =	vst.idx.add.f32.msk $0xffff, v15  }
.LBB2_10:
0x2a6: {  	p0 =	sne.s32 s1, $0x7C0  }
0x2a7: {  	v12 =	vor.u32 $0x1, v2;
	[tilespmem:v6+s21+$0x0] =	vst.idx.add.f32.msk $0xffff, v10;
	s0 =	sadd.s32 $0x10, s0;
	s5 =	smov.u32 s1;
	s1 =	sadd.s32 $0x10, s1  }
0x2a8: {  	[tilespmem:v5+s21+$0x0] =	vst.idx.add.f32.msk $0xffff, v8  }
0x2a9: {  	[tilespmem:v4+s21+$0x0] =	vst.idx.add.f32.msk $0xffff, v7  }
0x2aa: {  	v4 =	vor.u32 $0x2, v2;
	[tilespmem:v3+s21+$0x0] =	vst.idx.add.f32.msk $0xffff, v11  }
0x2ab: {  	[tilespmem:v9+s21+$0x0] =	vst.idx.add.f32.msk $0xffff, v1  }
0x2ac: {  	v3 =	vld.idx.msk [tilespmem:v2+s19+$0x0], $0xffff  }
0x2ad: {  	v6 =	vor.u32 $0x3, v2;
	v5 =	vld.idx.msk [tilespmem:v2+s20+$0x0], $0xffff  }
0x2ae: {  	v7 =	vld.idx.msk [tilespmem:v12+s19+$0x0], $0xffff  }
0x2af: {  	v8 =	vld.idx.msk [tilespmem:v12+s20+$0x0], $0xffff  }
0x2b0: {  	v2 =	vor.u32 $0x4, v2;
	v9 =	vld.idx.msk [tilespmem:v4+s19+$0x0], $0xffff  }
0x2b1: {  	v4 =	vld.idx.msk [tilespmem:v4+s20+$0x0], $0xffff  }
0x2b2: {  	v10 =	vld.idx.msk [tilespmem:v6+s19+$0x0], $0xffff  }
0x2b3: {  	v3 =	vadd.f32 v5, v3;
	v5 =	vld.idx.msk [tilespmem:v6+s20+$0x0], $0xffff;
	_ =	sdelay $0x1  }
0x2b4: {  	v6 =	vadd.f32 v8, v7;
	v8 =	vmul.f32 $9.999999770e-03, v3;
	v7 =	vld.idx.msk [tilespmem:v2+s19+$0x0], $0xffff  }
0x2b5: {  	vm0 =	vge.f32 v3, $0.0e+00;
	v2 =	vld.idx.msk [tilespmem:v2+s20+$0x0], $0xffff  }
0x2b6: {  	v4 =	vadd.f32 v4, v9;
	v3 =	vsel vm0, v3, v8;
	v8 =	vmul.f32 $9.999999770e-03, v6  }
0x2b7: {  	vm0 =	vge.f32 v6, $0.0e+00;
	v3 =	vmul.f32 $1.442695020e+00, v3  }
0x2b8: {  	v5 =	vadd.f32 v5, v10;
	v6 =	vsel vm0, v6, v8;
	v8 =	vmul.f32 $9.999999770e-03, v4  }
0x2b9: {  	vm0 =	vge.f32 v4, $0.0e+00;
	v6 =	vmul.f32 $1.442695020e+00, v6;
	(erf) = vpow2.f32 v3  }
0x2ba: {  	v3 =	vsel vm0, v4, v8;
	vm0 =	vge.f32 v5, $0.0e+00;
	v4 =	vmul.f32 $9.999999770e-03, v5  }
0x2bb: {  	v2 =	vadd.f32 v2, v7;
	v3 =	vmul.f32 $1.442695020e+00, v3;
	(erf) = vpow2.f32 v6  }
0x2bc: {  	v4 =	vsel vm0, v5, v4  }
0x2bd: {  	v5 =	vmul.f32 $9.999999770e-03, v2;
	(erf) = vpow2.f32 v3  }
0x2be: {  	vm0 =	vge.f32 v2, $0.0e+00;
	v3 =	vmul.f32 $1.442695020e+00, v4  }
0x2bf: {  	v2 =	vsel vm0, v2, v5  }
0x2c0: {  	v2 =	vmul.f32 $1.442695020e+00, v2;
	(erf) = vpow2.f32 v3;
	_ =	sdelay $0x1  }
0x2c1: {  	v7 =	vpop (erf);
	(erf) = vpow2.f32 v2;
	_ =	sdelay $0x1  }
0x2c2: {  	v2 =	vpop (erf)  }
0x2c3: {  	v3 =	vadd.f32 v2, v7  }
0x2c4: {  	v8 =	vpop (erf)  }
0x2c5: {  	v3 =	vadd.f32 v8, v3;
	_ =	sdelay $0x1  }
0x2c6: {  	v9 =	vpop (erf)  }
0x2c7: {  	v3 =	vadd.f32 v9, v3  }
0x2c8: {  	v11 =	vpop (erf)  }
0x2c9: {  	v3 =	vadd.f32 v11, v3;
	_ =	sdelay $0x1  }
0x2ca: {  	(erf) = vrcp.f32 v3;
	_ =	sdelay $0x2  }
0x2cb: {  	v12 =	vld [tilespmem:s0+$0x0];
	_ =	sdelay $0x4  }
.Ltmp4:
0x2cc: {  	v6 =	vadd.s32 $0x2780, v12;
	(pc) =	sbr.rel @p0 .LBB2_10-.Ltmp4, $4  }
0x2cd: {  	v5 =	vadd.s32 $0x4F00, v12;
	v4 =	vadd.s32 $0x7680, v12;
	v3 =	vadd.s32 $0x9E00, v12;
	v13 =	vpop (erf)  }
0x2ce: {  	v14 =	vmov s5;
	v15 =	vmul.f32 v13, v7;
	v10 =	vmul.f32 v13, v2  }
0x2cf: {  	v2 =	vshll.u32 v14, $0x3;
	v8 =	vmul.f32 v13, v8;
	v7 =	vmul.f32 v13, v9  }
0x2d0: {  	v11 =	vmul.f32 v13, v11;
	v9 =	vadd.s32 $0xC580, v12;
	v2 =	vor.u32 v0, v2;
	[tilespmem:v12+s21+$0x0] =	vst.idx.add.f32.msk $0xffff, v15  }
0x2d1: {  	_ =	sdelay $0x3  }
0x2d2: {  	[tilespmem:v6+s21+$0x0] =	vst.idx.add.f32.msk $0xffff, v10  }
0x2d3: {  	[tilespmem:v5+s21+$0x0] =	vst.idx.add.f32.msk $0xffff, v8  }
0x2d4: {  	v45 =	vor.u32 $0x1, v2;
	[tilespmem:v4+s21+$0x0] =	vst.idx.add.f32.msk $0xffff, v7  }
0x2d5: {  	[tilespmem:v3+s21+$0x0] =	vst.idx.add.f32.msk $0xffff, v11  }
0x2d6: {  	v46 =	vor.u32 $0x3, v2;
	[tilespmem:v9+s21+$0x0] =	vst.idx.add.f32.msk $0xffff, v1  }
0x2d7: {  	v3 =	vor.u32 $0x2, v2;
	v4 =	vld.idx.msk [tilespmem:v2+s19+$0x0], $0xffff  }
0x2d8: {  	v6 =	vld.idx.msk [tilespmem:v2+s20+$0x0], $0xffff  }
0x2d9: {  	v8 =	vld.idx.msk [tilespmem:v45+s19+$0x0], $0xffff  }
0x2da: {  	v5 =	vld.idx.msk [tilespmem:v45+s20+$0x0], $0xffff  }
0x2db: {  	v2 =	vor.u32 $0x4, v2;
	v10 =	vld.idx.msk [tilespmem:v46+s19+$0x0], $0xffff  }
0x2dc: {  	v9 =	vld.idx.msk [tilespmem:v3+s19+$0x0], $0xffff  }
0x2dd: {  	v3 =	vld.idx.msk [tilespmem:v3+s20+$0x0], $0xffff  }
0x2de: {  	v47 =	vld.idx.msk [tilespmem:v46+s20+$0x0], $0xffff  }
0x2df: {  	v4 =	vadd.f32 v6, v4  }
0x2e0: {  	v5 =	vadd.f32 v5, v8;
	v48 =	vld.idx.msk [tilespmem:v2+s19+$0x0], $0xffff  }
0x2e1: {  	v2 =	vld.idx.msk [tilespmem:v2+s20+$0x0], $0xffff;
	v49 =	vmul.f32 $9.999999770e-03, v4  }
0x2e2: {  	vm0 =	vge.f32 v4, $0.0e+00;
	v50 =	vmul.f32 $9.999999770e-03, v5;
	v3 =	vadd.f32 v3, v9  }
0x2e3: {  	v6 =	vadd.f32 v47, v10;
	vm12 =	vge.f32 v5, $0.0e+00;
	v4 =	vsel vm0, v4, v49  }
0x2e4: {  	v5 =	vsel vm12, v5, v50;
	v4 =	vmul.f32 $1.442695020e+00, v4;
	v51 =	vmul.f32 $9.999999770e-03, v3  }
0x2e5: {  	v52 =	vmul.f32 $9.999999770e-03, v6;
	vm13 =	vge.f32 v3, $0.0e+00;
	v5 =	vmul.f32 $1.442695020e+00, v5  }
0x2e6: {  	v2 =	vadd.f32 v2, v48;
	(erf) = vpow2.f32 v4;
	v3 =	vsel vm13, v3, v51  }
0x2e7: {  	vm14 =	vge.f32 v6, $0.0e+00;
	v3 =	vmul.f32 $1.442695020e+00, v3;
	(erf) = vpow2.f32 v5  }
0x2e8: {  	v4 =	vsel vm14, v6, v52;
	v53 =	vmul.f32 $9.999999770e-03, v2  }
0x2e9: {  	vm15 =	vge.f32 v2, $0.0e+00;
	(erf) = vpow2.f32 v3;
	v3 =	vmul.f32 $1.442695020e+00, v4  }
0x2ea: {  	v2 =	vsel vm15, v2, v53  }
0x2eb: {  	v2 =	vmul.f32 $1.442695020e+00, v2;
	(erf) = vpow2.f32 v3;
	_ =	sdelay $0x1  }
0x2ec: {  	(erf) = vpow2.f32 v2;
	_ =	sdelay $0x1  }
0x2ed: {  	v2 =	vpop (erf)  }
0x2ee: {  	v3 =	vpop (erf)  }
0x2ef: {  	v54 =	vadd.f32 v3, v2  }
0x2f0: {  	v55 =	vpop (erf)  }
0x2f1: {  	v4 =	vadd.f32 v55, v54  }
0x2f2: {  	v56 =	vpop (erf)  }
0x2f3: {  	v4 =	vadd.f32 v56, v4  }
0x2f4: {  	v57 =	vpop (erf)  }
0x2f5: {  	v4 =	vadd.f32 v57, v4;
	_ =	sdelay $0x1  }
0x2f6: {  	(erf) = vrcp.f32 v4;
	_ =	sdelay $0x1  }
0x2f7: {  	s0 =	sadd.s32 $0x10, s0  }
0x2f8: {  	v58 =	vld [tilespmem:s0+$0x0];
	_ =	sdelay $0x4  }
0x2f9: {  	v59 =	vadd.s32 $0x2780, v58  }
0x2fa: {  	v60 =	vadd.s32 $0x4F00, v58;
	v61 =	vpop (erf)  }
0x2fb: {  	v62 =	vadd.s32 $0x7680, v58;
	v2 =	vmul.f32 v61, v2  }
0x2fc: {  	v12 =	vadd.s32 $0x9E00, v58;
	v3 =	vmul.f32 v61, v3  }
0x2fd: {  	v5 =	vmul.f32 v61, v55;
	[tilespmem:v58+s21+$0x0] =	vst.idx.add.f32.msk $0xffff, v2;
	v2 =	vadd.s32 $0xC580, v58  }
0x2fe: {  	v63 =	vmul.f32 v61, v56;
	[tilespmem:v59+s21+$0x0] =	vst.idx.add.f32.msk $0xffff, v3  }
0x2ff: {  	v3 =	vmul.f32 v61, v57;
	[tilespmem:v60+s21+$0x0] =	vst.idx.add.f32.msk $0xffff, v5  }
0x300: {  	s31 =	sadd.s32 $0x1, s31;
	[tilespmem:v62+s21+$0x0] =	vst.idx.add.f32.msk $0xffff, v63  }
0x301: {  	p0 =	sne.s32 s31, s17;
	[tilespmem:v12+s21+$0x0] =	vst.idx.add.f32.msk $0xffff, v3  }
.Ltmp5:
0x302: {  	[tilespmem:v2+s21+$0x0] =	vst.idx.add.f32.msk $0xffff, v1;
	(pc) =	sbr.rel @p0 .LBB2_1-.Ltmp5, $4  }
0x303: {  	[hbm4b:s16+s2] =	stream.linear.scatter [tilespmem:s21], [sflag:$0x5], $0xED00, $0x38;
	[tilespmem:$0x1FE70] =	vst v63  }
0x304: {  	_ =	swait.ge [sflag:s18], $0xED00  }
0x305: {  	[sflag:s18] =	ssyncset.done $0x0  }
0x306: {  	[sflag:s18] =	ssyncadd.s32 $0xFFFF1300  }
0x307: {  	_ =	sfence.sel $0x180000  }
0x308: {  	[bflag:$0x0] =	sbarrier.arrive $0xFFFF  }
0x309: {  	_ =	strace $0x90000047  }
0x30a: {  	s0 =	stileid.u32;
	[bflag:$0x2] =	sbarrier.arrive $0xFFFF  }
0x30b: {  	p0 =	sne.s32 s0, $0x0;
	s0 =	rddreg [dreg:$0x2]  }
0x30c: {  	s0 =	sadd.s32 @!p0 $0x100000, s0  }
0x30d: {  	[sflag:s0] =	ssyncadd.tile.s32 @!p0 $0x1;
	_ =	shalt  }
.Lfunc_end2:
_tile_overlayer_lowered:
.L_overlay_start_2:
0x30e: {  	(tag) =	ssettag $0x2  }
0x30f: {  	s0 =	rddreg [dreg:$0x0];
	s2 =	stileid.u32  }
0x310: {  	s1 =	rddreg [dreg:$0x1];
	p0 =	sne.s32 s2, $0x0  }
0x311: {  	s3 =	rddreg [dreg:$0x2];
	[bflag:$0x3] =	sbarrier.arrive $0xFFFF;
	s2 =	simm.s32 @!p0 $0x1C05  }
0x312: {  	[timem:s3], [sflag:s2] =	dma.local @!p0 [hbm:s0], s1  }
0x313: {  	s0 =	simm.s32 @!p0 $0x5  }
0x314: {  	_ =	swait.ge @!p0 [sflag:s0], s1  }
0x315: {  	s1 =	ssub.s32 @!p0 $0x0, s1;
	[sflag:s0] =	ssyncset.done @!p0 $0x0  }
0x316: {  	[sflag:s0] =	ssyncadd.s32 @!p0 s1  }
0x317: {  	[bflag:$0x3] =	sbarrier.arrive $0xFFFF  }
0x318: {  	_ =	shalt  }

</sc_bundles>
